<compile_context>
chip_gen: v7x
topology: tpu7x:2x2x1
jax: 0.10.2.dev20260603
libtpu: 0.0.44.dev20260713+nightly
codegen_flags: <defaults>
</compile_context>

<pallas_src>
import functools

import jax
import jax.numpy as jnp
import numpy as np
from jax import lax
from jax.experimental import pallas as pl
from jax.experimental.pallas import tpu as pltpu
from jax.experimental.pallas import tpu_sc as plsc

_TIMESTEPS = 1000
_BATCH = 16384
_TABLE = _TIMESTEPS + 1
_LANES = 16
_NUM_CORES = 1
_NUM_SUBCORES = 16
_NUM_WORKERS = _NUM_CORES * _NUM_SUBCORES
_CHUNK = _BATCH // _NUM_WORKERS
_MAGIC = np.float32(1.5 * 2.0**23)


def _body(t_hbm, gamma_hbm, out_hbm, gamma_v, t_v, o_v, sem_g, sem_t):
    wid = lax.axis_index("s") * _NUM_CORES + lax.axis_index("c")
    base = wid * _CHUNK
    cp_g = pltpu.async_copy(gamma_hbm, gamma_v, sem_g)
    cp_t = pltpu.async_copy(t_hbm.at[pl.ds(base, _CHUNK)], t_v, sem_t)
    cp_g.wait()
    cp_t.wait()
    for i in range(_CHUNK // _LANES):
        tv = t_v[pl.ds(i * _LANES, _LANES)]
        x = tv * np.float32(_TIMESTEPS)
        s = x + _MAGIC
        idx = lax.bitcast_convert_type(s, jnp.int32) - np.int32(0x4B400000)
        o_v[pl.ds(i * _LANES, _LANES)] = plsc.load_gather(gamma_v, [idx])
    pltpu.sync_copy(o_v, out_hbm.at[pl.ds(base, _CHUNK)])


@jax.jit
def kernel(t, gamma):
    mesh = plsc.VectorSubcoreMesh(
        core_axis_name="c", subcore_axis_name="s", num_cores=_NUM_CORES
    )
    k = functools.partial(
        pl.kernel,
        mesh=mesh,
        out_type=jax.ShapeDtypeStruct((_BATCH,), jnp.float32),
        scratch_types=[
            pltpu.VMEM((_TABLE,), jnp.float32),
            pltpu.VMEM((_CHUNK,), jnp.float32),
            pltpu.VMEM((_CHUNK,), jnp.float32),
            pltpu.SemaphoreType.DMA,
            pltpu.SemaphoreType.DMA,
        ],
        compiler_params=pltpu.CompilerParams(needs_layout_passes=False),
    )(_body)
    return k(t, gamma)

# --- scband reference (transcript-rebuilt; emitter-appended) ---
"""Pipeline reference for scband-predefined-noise-schedule1-45732811768382 (READ-ONLY COPY).

The authoritative reference and input builder live on the scoring server;
editing this copy changes nothing except your own understanding.
"""

import jax, jax.numpy as jnp
import numpy as np

TIMESTEPS = 1000
PRECISION = 0.0001
POWER = 2.0
BATCH = 16384


def _clip_noise_schedule(alphas2, clip_value=0.001):
    alphas2 = np.concatenate([np.ones(1), alphas2], axis=0)
    alphas_step = alphas2[1:] / alphas2[:-1]
    alphas_step = np.clip(alphas_step, a_min=clip_value, a_max=1.0)
    return np.cumprod(alphas_step, axis=0)


def _polynomial_schedule(timesteps, s=0.0001, power=3.0):
    steps = timesteps + 1
    x = np.linspace(0, steps, steps)
    alphas2 = (1 - np.power(x / steps, power)) ** 2
    alphas2 = _clip_noise_schedule(alphas2, clip_value=0.001)
    precision = 1 - 2 * s
    return precision * alphas2 + s


def _build_gamma():
    alphas2 = _polynomial_schedule(TIMESTEPS, s=PRECISION, power=POWER)
    alphas2 = np.clip(alphas2, a_min=1e-07, a_max=0.9999)
    sigmas2 = np.clip(1 - alphas2, a_min=1e-07, a_max=0.9999)
    log_alphas2 = np.log(alphas2)
    log_sigmas2 = np.log(sigmas2)
    gamma = -(log_alphas2 - log_sigmas2)
    return jnp.asarray(gamma, dtype=jnp.float32)


def setup_inputs(seed: int = 0) -> dict:
    key = jax.random.key(seed)
    t = jax.random.uniform(key, (BATCH,), dtype=jnp.float32)
    gamma = _build_gamma()
    return {"t": t, "gamma": gamma}


def reference(t, gamma):
    t_int = jnp.round(t * TIMESTEPS).astype(jnp.int32)
    return jnp.take(gamma, t_int, axis=0)

if __name__ == "__main__":
    import jax
    _d = setup_inputs()
    print(jax.jit(kernel)(*tuple(_d.values())))

</pallas_src>

<mosaic_0001>
#map = affine_map<(d0, d1) -> (0)>
module attributes {stable_mosaic.version = 14 : i64} {
  func.func @_body(%arg0: i32, %arg1: i32, %arg2: memref<16384xf32, #tpu.memory_space<hbm>>, %arg3: memref<1001xf32, #tpu.memory_space<hbm>>, %arg4: memref<16384xf32, #tpu.memory_space<hbm>>, %arg5: memref<1001xf32, #tpu.memory_space<vmem>>, %arg6: memref<1024xf32, #tpu.memory_space<vmem>>, %arg7: memref<1024xf32, #tpu.memory_space<vmem>>, %arg8: memref<!tpu.dma_semaphore, #tpu.memory_space<semaphore_mem>>, %arg9: memref<!tpu.dma_semaphore, #tpu.memory_space<semaphore_mem>>) attributes {dimension_semantics = [#tpu.dimension_semantics<core_parallel>, #tpu.dimension_semantics<subcore_parallel>], iteration_bounds = array<i64: 1, 16>, scalar_prefetch = 0 : i64, scratch_operands = 5 : i64, tpu.core_type = #tpu.core_type<sc_vector_subcore>, window_params = [{transform_indices = #map}, {transform_indices = #map}, {transform_indices = #map}]} {
    %mul3A = arith.constant 1 : i32
    %mul3A_0 = arith.muli %arg1, %mul3A : i32
    %add3A = arith.addi %mul3A_0, %arg0 : i32
    %mul3A_1 = arith.constant 1024 : i32
    %mul3A_2 = arith.muli %add3A, %mul3A_1 : i32
    tpu.enqueue_dma source(%arg3 : memref<1001xf32, #tpu.memory_space<hbm>>) target(%arg5 : memref<1001xf32, #tpu.memory_space<vmem>>) target_semaphore(%arg8 : memref<!tpu.dma_semaphore, #tpu.memory_space<semaphore_mem>>)
    %dma_start3A = tpu.memref_slice %arg2[%mul3A_2] : memref<16384xf32, #tpu.memory_space<hbm>> -> memref<1024xf32, #tpu.memory_space<hbm>>
    %dma_start3A_3 = tpu.memref_slice %arg2[%mul3A_2] : memref<16384xf32, #tpu.memory_space<hbm>> -> memref<1024xf32, #tpu.memory_space<hbm>>
    tpu.enqueue_dma source(%dma_start3A_3 : memref<1024xf32, #tpu.memory_space<hbm>>) target(%arg6 : memref<1024xf32, #tpu.memory_space<vmem>>) target_semaphore(%arg9 : memref<!tpu.dma_semaphore, #tpu.memory_space<semaphore_mem>>)
    tpu.wait_dma2 semaphore(%arg8 : memref<!tpu.dma_semaphore, #tpu.memory_space<semaphore_mem>>) src(%arg3 : memref<1001xf32, #tpu.memory_space<hbm>>) dst(%arg5 : memref<1001xf32, #tpu.memory_space<vmem>>)
    %dma_wait3A = tpu.memref_slice %arg2[%mul3A_2] : memref<16384xf32, #tpu.memory_space<hbm>> -> memref<1024xf32, #tpu.memory_space<hbm>>
    %dma_wait3A_4 = tpu.memref_slice %arg2[%mul3A_2] : memref<16384xf32, #tpu.memory_space<hbm>> -> memref<1024xf32, #tpu.memory_space<hbm>>
    tpu.wait_dma2 semaphore(%arg9 : memref<!tpu.dma_semaphore, #tpu.memory_space<semaphore_mem>>) src(%dma_wait3A_4 : memref<1024xf32, #tpu.memory_space<hbm>>) dst(%arg6 : memref<1024xf32, #tpu.memory_space<vmem>>)
    %get3A = arith.constant 0 : index
    %get3A_5 = tpu.vector_load %arg6[%get3A] {strides = array<i32>} : memref<1024xf32, #tpu.memory_space<vmem>>, vector<16xf32>,
    %mul3A_6 = arith.constant 1.000000e+03 : f32
    %mul3A_7 = vector.broadcast %mul3A_6 : f32 to vector<16xf32>
    %mul3A_8 = arith.mulf %get3A_5, %mul3A_7 : vector<16xf32>
    %add3A_9 = arith.constant 0x4B400000 : f32
    %add3A_10 = vector.broadcast %add3A_9 : f32 to vector<16xf32>
    %add3A_11 = arith.addf %mul3A_8, %add3A_10 : vector<16xf32>
    %bitcast_convert_type3A = tpu.bitcast %add3A_11 : vector<16xf32> -> vector<16xi32>
    %sub3A = arith.constant 1262485504 : i32
    %sub3A_12 = vector.broadcast %sub3A : i32 to vector<16xi32>
    %sub3A_13 = arith.subi %bitcast_convert_type3A, %sub3A_12 : vector<16xi32>
    %gather3A = tpu.vector_load_idx %arg5[%sub3A_13] : memref<1001xf32, #tpu.memory_space<vmem>>[vector<16xi32>], vector<16xf32>,
    %swap3A = arith.constant 0 : index
    %swap3A_14 = tpu.vector_load %arg7[%swap3A] {strides = array<i32>} : memref<1024xf32, #tpu.memory_space<vmem>>, vector<16xf32>,
    tpu.vector_store %arg7[%swap3A], %gather3A {strides = array<i32>} : memref<1024xf32, #tpu.memory_space<vmem>>, vector<16xf32>,
    %get3A_15 = arith.constant 16 : index
    %get3A_16 = tpu.vector_load %arg6[%get3A_15] {strides = array<i32>} : memref<1024xf32, #tpu.memory_space<vmem>>, vector<16xf32>,
    %mul3A_17 = arith.constant 1.000000e+03 : f32
    %mul3A_18 = vector.broadcast %mul3A_17 : f32 to vector<16xf32>
    %mul3A_19 = arith.mulf %get3A_16, %mul3A_18 : vector<16xf32>
    %add3A_20 = arith.constant 0x4B400000 : f32
    %add3A_21 = vector.broadcast %add3A_20 : f32 to vector<16xf32>
    %add3A_22 = arith.addf %mul3A_19, %add3A_21 : vector<16xf32>
    %bitcast_convert_type3A_23 = tpu.bitcast %add3A_22 : vector<16xf32> -> vector<16xi32>
    %sub3A_24 = arith.constant 1262485504 : i32
    %sub3A_25 = vector.broadcast %sub3A_24 : i32 to vector<16xi32>
    %sub3A_26 = arith.subi %bitcast_convert_type3A_23, %sub3A_25 : vector<16xi32>
    %gather3A_27 = tpu.vector_load_idx %arg5[%sub3A_26] : memref<1001xf32, #tpu.memory_space<vmem>>[vector<16xi32>], vector<16xf32>,
    %swap3A_28 = arith.constant 16 : index
    %swap3A_29 = tpu.vector_load %arg7[%swap3A_28] {strides = array<i32>} : memref<1024xf32, #tpu.memory_space<vmem>>, vector<16xf32>,
    tpu.vector_store %arg7[%swap3A_28], %gather3A_27 {strides = array<i32>} : memref<1024xf32, #tpu.memory_space<vmem>>, vector<16xf32>,
    %get3A_30 = arith.constant 32 : index
    %get3A_31 = tpu.vector_load %arg6[%get3A_30] {strides = array<i32>} : memref<1024xf32, #tpu.memory_space<vmem>>, vector<16xf32>,
    %mul3A_32 = arith.constant 1.000000e+03 : f32
    %mul3A_33 = vector.broadcast %mul3A_32 : f32 to vector<16xf32>
    %mul3A_34 = arith.mulf %get3A_31, %mul3A_33 : vector<16xf32>
    %add3A_35 = arith.constant 0x4B400000 : f32
    %add3A_36 = vector.broadcast %add3A_35 : f32 to vector<16xf32>
    %add3A_37 = arith.addf %mul3A_34, %add3A_36 : vector<16xf32>
    %bitcast_convert_type3A_38 = tpu.bitcast %add3A_37 : vector<16xf32> -> vector<16xi32>
    %sub3A_39 = arith.constant 1262485504 : i32
    %sub3A_40 = vector.broadcast %sub3A_39 : i32 to vector<16xi32>
    %sub3A_41 = arith.subi %bitcast_convert_type3A_38, %sub3A_40 : vector<16xi32>
    %gather3A_42 = tpu.vector_load_idx %arg5[%sub3A_41] : memref<1001xf32, #tpu.memory_space<vmem>>[vector<16xi32>], vector<16xf32>,
    %swap3A_43 = arith.constant 32 : index
    %swap3A_44 = tpu.vector_load %arg7[%swap3A_43] {strides = array<i32>} : memref<1024xf32, #tpu.memory_space<vmem>>, vector<16xf32>,
    tpu.vector_store %arg7[%swap3A_43], %gather3A_42 {strides = array<i32>} : memref<1024xf32, #tpu.memory_space<vmem>>, vector<16xf32>,
    %get3A_45 = arith.constant 48 : index
    %get3A_46 = tpu.vector_load %arg6[%get3A_45] {strides = array<i32>} : memref<1024xf32, #tpu.memory_space<vmem>>, vector<16xf32>,
    %mul3A_47 = arith.constant 1.000000e+03 : f32
    %mul3A_48 = vector.broadcast %mul3A_47 : f32 to vector<16xf32>
    %mul3A_49 = arith.mulf %get3A_46, %mul3A_48 : vector<16xf32>
    %add3A_50 = arith.constant 0x4B400000 : f32
    %add3A_51 = vector.broadcast %add3A_50 : f32 to vector<16xf32>
    %add3A_52 = arith.addf %mul3A_49, %add3A_51 : vector<16xf32>
    %bitcast_convert_type3A_53 = tpu.bitcast %add3A_52 : vector<16xf32> -> vector<16xi32>
    %sub3A_54 = arith.constant 1262485504 : i32
    %sub3A_55 = vector.broadcast %sub3A_54 : i32 to vector<16xi32>
    %sub3A_56 = arith.subi %bitcast_convert_type3A_53, %sub3A_55 : vector<16xi32>
    %gather3A_57 = tpu.vector_load_idx %arg5[%sub3A_56] : memref<1001xf32, #tpu.memory_space<vmem>>[vector<16xi32>], vector<16xf32>,
    %swap3A_58 = arith.constant 48 : index
    %swap3A_59 = tpu.vector_load %arg7[%swap3A_58] {strides = array<i32>} : memref<1024xf32, #tpu.memory_space<vmem>>, vector<16xf32>,
    tpu.vector_store %arg7[%swap3A_58], %gather3A_57 {strides = array<i32>} : memref<1024xf32, #tpu.memory_space<vmem>>, vector<16xf32>,
    %get3A_60 = arith.constant 64 : index
    %get3A_61 = tpu.vector_load %arg6[%get3A_60] {strides = array<i32>} : memref<1024xf32, #tpu.memory_space<vmem>>, vector<16xf32>,
    %mul3A_62 = arith.constant 1.000000e+03 : f32
    %mul3A_63 = vector.broadcast %mul3A_62 : f32 to vector<16xf32>
    %mul3A_64 = arith.mulf %get3A_61, %mul3A_63 : vector<16xf32>
    %add3A_65 = arith.constant 0x4B400000 : f32
    %add3A_66 = vector.broadcast %add3A_65 : f32 to vector<16xf32>
    %add3A_67 = arith.addf %mul3A_64, %add3A_66 : vector<16xf32>
    %bitcast_convert_type3A_68 = tpu.bitcast %add3A_67 : vector<16xf32> -> vector<16xi32>
    %sub3A_69 = arith.constant 1262485504 : i32
    %sub3A_70 = vector.broadcast %sub3A_69 : i32 to vector<16xi32>
    %sub3A_71 = arith.subi %bitcast_convert_type3A_68, %sub3A_70 : vector<16xi32>
    %gather3A_72 = tpu.vector_load_idx %arg5[%sub3A_71] : memref<1001xf32, #tpu.memory_space<vmem>>[vector<16xi32>], vector<16xf32>,
    %swap3A_73 = arith.constant 64 : index
    %swap3A_74 = tpu.vector_load %arg7[%swap3A_73] {strides = array<i32>} : memref<1024xf32, #tpu.memory_space<vmem>>, vector<16xf32>,
    tpu.vector_store %arg7[%swap3A_73], %gather3A_72 {strides = array<i32>} : memref<1024xf32, #tpu.memory_space<vmem>>, vector<16xf32>,
    %get3A_75 = arith.constant 80 : index
    %get3A_76 = tpu.vector_load %arg6[%get3A_75] {strides = array<i32>} : memref<1024xf32, #tpu.memory_space<vmem>>, vector<16xf32>,
    %mul3A_77 = arith.constant 1.000000e+03 : f32
    %mul3A_78 = vector.broadcast %mul3A_77 : f32 to vector<16xf32>
    %mul3A_79 = arith.mulf %get3A_76, %mul3A_78 : vector<16xf32>
    %add3A_80 = arith.constant 0x4B400000 : f32
    %add3A_81 = vector.broadcast %add3A_80 : f32 to vector<16xf32>
    %add3A_82 = arith.addf %mul3A_79, %add3A_81 : vector<16xf32>
    %bitcast_convert_type3A_83 = tpu.bitcast %add3A_82 : vector<16xf32> -> vector<16xi32>
    %sub3A_84 = arith.constant 1262485504 : i32
    %sub3A_85 = vector.broadcast %sub3A_84 : i32 to vector<16xi32>
    %sub3A_86 = arith.subi %bitcast_convert_type3A_83, %sub3A_85 : vector<16xi32>
    %gather3A_87 = tpu.vector_load_idx %arg5[%sub3A_86] : memref<1001xf32, #tpu.memory_space<vmem>>[vector<16xi32>], vector<16xf32>,
    %swap3A_88 = arith.constant 80 : index
    %swap3A_89 = tpu.vector_load %arg7[%swap3A_88] {strides = array<i32>} : memref<1024xf32, #tpu.memory_space<vmem>>, vector<16xf32>,
    tpu.vector_store %arg7[%swap3A_88], %gather3A_87 {strides = array<i32>} : memref<1024xf32, #tpu.memory_space<vmem>>, vector<16xf32>,
    %get3A_90 = arith.constant 96 : index
    %get3A_91 = tpu.vector_load %arg6[%get3A_90] {strides = array<i32>} : memref<1024xf32, #tpu.memory_space<vmem>>, vector<16xf32>,
    %mul3A_92 = arith.constant 1.000000e+03 : f32
    %mul3A_93 = vector.broadcast %mul3A_92 : f32 to vector<16xf32>
    %mul3A_94 = arith.mulf %get3A_91, %mul3A_93 : vector<16xf32>
    %add3A_95 = arith.constant 0x4B400000 : f32
    %add3A_96 = vector.broadcast %add3A_95 : f32 to vector<16xf32>
    %add3A_97 = arith.addf %mul3A_94, %add3A_96 : vector<16xf32>
    %bitcast_convert_type3A_98 = tpu.bitcast %add3A_97 : vector<16xf32> -> vector<16xi32>
    %sub3A_99 = arith.constant 1262485504 : i32
    %sub3A_100 = vector.broadcast %sub3A_99 : i32 to vector<16xi32>
    %sub3A_101 = arith.subi %bitcast_convert_type3A_98, %sub3A_100 : vector<16xi32>
    %gather3A_102 = tpu.vector_load_idx %arg5[%sub3A_101] : memref<1001xf32, #tpu.memory_space<vmem>>[vector<16xi32>], vector<16xf32>,
    %swap3A_103 = arith.constant 96 : index
    %swap3A_104 = tpu.vector_load %arg7[%swap3A_103] {strides = array<i32>} : memref<1024xf32, #tpu.memory_space<vmem>>, vector<16xf32>,
    tpu.vector_store %arg7[%swap3A_103], %gather3A_102 {strides = array<i32>} : memref<1024xf32, #tpu.memory_space<vmem>>, vector<16xf32>,
    %get3A_105 = arith.constant 112 : index
    %get3A_106 = tpu.vector_load %arg6[%get3A_105] {strides = array<i32>} : memref<1024xf32, #tpu.memory_space<vmem>>, vector<16xf32>,
    %mul3A_107 = arith.constant 1.000000e+03 : f32
    %mul3A_108 = vector.broadcast %mul3A_107 : f32 to vector<16xf32>
    %mul3A_109 = arith.mulf %get3A_106, %mul3A_108 : vector<16xf32>
    %add3A_110 = arith.constant 0x4B400000 : f32
    %add3A_111 = vector.broadcast %add3A_110 : f32 to vector<16xf32>
    %add3A_112 = arith.addf %mul3A_109, %add3A_111 : vector<16xf32>
    %bitcast_convert_type3A_113 = tpu.bitcast %add3A_112 : vector<16xf32> -> vector<16xi32>
    %sub3A_114 = arith.constant 1262485504 : i32
    %sub3A_115 = vector.broadcast %sub3A_114 : i32 to vector<16xi32>
    %sub3A_116 = arith.subi %bitcast_convert_type3A_113, %sub3A_115 : vector<16xi32>
    %gather3A_117 = tpu.vector_load_idx %arg5[%sub3A_116] : memref<1001xf32, #tpu.memory_space<vmem>>[vector<16xi32>], vector<16xf32>,
    %swap3A_118 = arith.constant 112 : index
    %swap3A_119 = tpu.vector_load %arg7[%swap3A_118] {strides = array<i32>} : memref<1024xf32, #tpu.memory_space<vmem>>, vector<16xf32>,
    tpu.vector_store %arg7[%swap3A_118], %gather3A_117 {strides = array<i32>} : memref<1024xf32, #tpu.memory_space<vmem>>, vector<16xf32>,
    %get3A_120 = arith.constant 128 : index
    %get3A_121 = tpu.vector_load %arg6[%get3A_120] {strides = array<i32>} : memref<1024xf32, #tpu.memory_space<vmem>>, vector<16xf32>,
    %mul3A_122 = arith.constant 1.000000e+03 : f32
    %mul3A_123 = vector.broadcast %mul3A_122 : f32 to vector<16xf32>
    %mul3A_124 = arith.mulf %get3A_121, %mul3A_123 : vector<16xf32>
    %add3A_125 = arith.constant 0x4B400000 : f32
    %add3A_126 = vector.broadcast %add3A_125 : f32 to vector<16xf32>
    %add3A_127 = arith.addf %mul3A_124, %add3A_126 : vector<16xf32>
    %bitcast_convert_type3A_128 = tpu.bitcast %add3A_127 : vector<16xf32> -> vector<16xi32>
    %sub3A_129 = arith.constant 1262485504 : i32
    %sub3A_130 = vector.broadcast %sub3A_129 : i32 to vector<16xi32>
    %sub3A_131 = arith.subi %bitcast_convert_type3A_128, %sub3A_130 : vector<16xi32>
    %gather3A_132 = tpu.vector_load_idx %arg5[%sub3A_131] : memref<1001xf32, #tpu.memory_space<vmem>>[vector<16xi32>], vector<16xf32>,
    %swap3A_133 = arith.constant 128 : index
    %swap3A_134 = tpu.vector_load %arg7[%swap3A_133] {strides = array<i32>} : memref<1024xf32, #tpu.memory_space<vmem>>, vector<16xf32>,
    tpu.vector_store %arg7[%swap3A_133], %gather3A_132 {strides = array<i32>} : memref<1024xf32, #tpu.memory_space<vmem>>, vector<16xf32>,
    %get3A_135 = arith.constant 144 : index
    %get3A_136 = tpu.vector_load %arg6[%get3A_135] {strides = array<i32>} : memref<1024xf32, #tpu.memory_space<vmem>>, vector<16xf32>,
    %mul3A_137 = arith.constant 1.000000e+03 : f32
    %mul3A_138 = vector.broadcast %mul3A_137 : f32 to vector<16xf32>
    %mul3A_139 = arith.mulf %get3A_136, %mul3A_138 : vector<16xf32>
    %add3A_140 = arith.constant 0x4B400000 : f32
    %add3A_141 = vector.broadcast %add3A_140 : f32 to vector<16xf32>
    %add3A_142 = arith.addf %mul3A_139, %add3A_141 : vector<16xf32>
    %bitcast_convert_type3A_143 = tpu.bitcast %add3A_142 : vector<16xf32> -> vector<16xi32>
    %sub3A_144 = arith.constant 1262485504 : i32
    %sub3A_145 = vector.broadcast %sub3A_144 : i32 to vector<16xi32>
    %sub3A_146 = arith.subi %bitcast_convert_type3A_143, %sub3A_145 : vector<16xi32>
    %gather3A_147 = tpu.vector_load_idx %arg5[%sub3A_146] : memref<1001xf32, #tpu.memory_space<vmem>>[vector<16xi32>], vector<16xf32>,
    %swap3A_148 = arith.constant 144 : index
    %swap3A_149 = tpu.vector_load %arg7[%swap3A_148] {strides = array<i32>} : memref<1024xf32, #tpu.memory_space<vmem>>, vector<16xf32>,
    tpu.vector_store %arg7[%swap3A_148], %gather3A_147 {strides = array<i32>} : memref<1024xf32, #tpu.memory_space<vmem>>, vector<16xf32>,
    %get3A_150 = arith.constant 160 : index
    %get3A_151 = tpu.vector_load %arg6[%get3A_150] {strides = array<i32>} : memref<1024xf32, #tpu.memory_space<vmem>>, vector<16xf32>,
    %mul3A_152 = arith.constant 1.000000e+03 : f32
    %mul3A_153 = vector.broadcast %mul3A_152 : f32 to vector<16xf32>
    %mul3A_154 = arith.mulf %get3A_151, %mul3A_153 : vector<16xf32>
    %add3A_155 = arith.constant 0x4B400000 : f32
    %add3A_156 = vector.broadcast %add3A_155 : f32 to vector<16xf32>
    %add3A_157 = arith.addf %mul3A_154, %add3A_156 : vector<16xf32>
    %bitcast_convert_type3A_158 = tpu.bitcast %add3A_157 : vector<16xf32> -> vector<16xi32>
    %sub3A_159 = arith.constant 1262485504 : i32
    %sub3A_160 = vector.broadcast %sub3A_159 : i32 to vector<16xi32>
    %sub3A_161 = arith.subi %bitcast_convert_type3A_158, %sub3A_160 : vector<16xi32>
    %gather3A_162 = tpu.vector_load_idx %arg5[%sub3A_161] : memref<1001xf32, #tpu.memory_space<vmem>>[vector<16xi32>], vector<16xf32>,
    %swap3A_163 = arith.constant 160 : index
    %swap3A_164 = tpu.vector_load %arg7[%swap3A_163] {strides = array<i32>} : memref<1024xf32, #tpu.memory_space<vmem>>, vector<16xf32>,
    tpu.vector_store %arg7[%swap3A_163], %gather3A_162 {strides = array<i32>} : memref<1024xf32, #tpu.memory_space<vmem>>, vector<16xf32>,
    %get3A_165 = arith.constant 176 : index
    %get3A_166 = tpu.vector_load %arg6[%get3A_165] {strides = array<i32>} : memref<1024xf32, #tpu.memory_space<vmem>>, vector<16xf32>,
    %mul3A_167 = arith.constant 1.000000e+03 : f32
    %mul3A_168 = vector.broadcast %mul3A_167 : f32 to vector<16xf32>
    %mul3A_169 = arith.mulf %get3A_166, %mul3A_168 : vector<16xf32>
    %add3A_170 = arith.constant 0x4B400000 : f32
    %add3A_171 = vector.broadcast %add3A_170 : f32 to vector<16xf32>
    %add3A_172 = arith.addf %mul3A_169, %add3A_171 : vector<16xf32>
    %bitcast_convert_type3A_173 = tpu.bitcast %add3A_172 : vector<16xf32> -> vector<16xi32>
    %sub3A_174 = arith.constant 1262485504 : i32
    %sub3A_175 = vector.broadcast %sub3A_174 : i32 to vector<16xi32>
    %sub3A_176 = arith.subi %bitcast_convert_type3A_173, %sub3A_175 : vector<16xi32>
    %gather3A_177 = tpu.vector_load_idx %arg5[%sub3A_176] : memref<1001xf32, #tpu.memory_space<vmem>>[vector<16xi32>], vector<16xf32>,
    %swap3A_178 = arith.constant 176 : index
    %swap3A_179 = tpu.vector_load %arg7[%swap3A_178] {strides = array<i32>} : memref<1024xf32, #tpu.memory_space<vmem>>, vector<16xf32>,
    tpu.vector_store %arg7[%swap3A_178], %gather3A_177 {strides = array<i32>} : memref<1024xf32, #tpu.memory_space<vmem>>, vector<16xf32>,
    %get3A_180 = arith.constant 192 : index
    %get3A_181 = tpu.vector_load %arg6[%get3A_180] {strides = array<i32>} : memref<1024xf32, #tpu.memory_space<vmem>>, vector<16xf32>,
    %mul3A_182 = arith.constant 1.000000e+03 : f32
    %mul3A_183 = vector.broadcast %mul3A_182 : f32 to vector<16xf32>
    %mul3A_184 = arith.mulf %get3A_181, %mul3A_183 : vector<16xf32>
    %add3A_185 = arith.constant 0x4B400000 : f32
    %add3A_186 = vector.broadcast %add3A_185 : f32 to vector<16xf32>
    %add3A_187 = arith.addf %mul3A_184, %add3A_186 : vector<16xf32>
    %bitcast_convert_type3A_188 = tpu.bitcast %add3A_187 : vector<16xf32> -> vector<16xi32>
    %sub3A_189 = arith.constant 1262485504 : i32
    %sub3A_190 = vector.broadcast %sub3A_189 : i32 to vector<16xi32>
    %sub3A_191 = arith.subi %bitcast_convert_type3A_188, %sub3A_190 : vector<16xi32>
    %gather3A_192 = tpu.vector_load_idx %arg5[%sub3A_191] : memref<1001xf32, #tpu.memory_space<vmem>>[vector<16xi32>], vector<16xf32>,
    %swap3A_193 = arith.constant 192 : index
    %swap3A_194 = tpu.vector_load %arg7[%swap3A_193] {strides = array<i32>} : memref<1024xf32, #tpu.memory_space<vmem>>, vector<16xf32>,
    tpu.vector_store %arg7[%swap3A_193], %gather3A_192 {strides = array<i32>} : memref<1024xf32, #tpu.memory_space<vmem>>, vector<16xf32>,
    %get3A_195 = arith.constant 208 : index
    %get3A_196 = tpu.vector_load %arg6[%get3A_195] {strides = array<i32>} : memref<1024xf32, #tpu.memory_space<vmem>>, vector<16xf32>,
    %mul3A_197 = arith.constant 1.000000e+03 : f32
    %mul3A_198 = vector.broadcast %mul3A_197 : f32 to vector<16xf32>
    %mul3A_199 = arith.mulf %get3A_196, %mul3A_198 : vector<16xf32>
    %add3A_200 = arith.constant 0x4B400000 : f32
    %add3A_201 = vector.broadcast %add3A_200 : f32 to vector<16xf32>
    %add3A_202 = arith.addf %mul3A_199, %add3A_201 : vector<16xf32>
    %bitcast_convert_type3A_203 = tpu.bitcast %add3A_202 : vector<16xf32> -> vector<16xi32>
    %sub3A_204 = arith.constant 1262485504 : i32
    %sub3A_205 = vector.broadcast %sub3A_204 : i32 to vector<16xi32>
    %sub3A_206 = arith.subi %bitcast_convert_type3A_203, %sub3A_205 : vector<16xi32>
    %gather3A_207 = tpu.vector_load_idx %arg5[%sub3A_206] : memref<1001xf32, #tpu.memory_space<vmem>>[vector<16xi32>], vector<16xf32>,
    %swap3A_208 = arith.constant 208 : index
    %swap3A_209 = tpu.vector_load %arg7[%swap3A_208] {strides = array<i32>} : memref<1024xf32, #tpu.memory_space<vmem>>, vector<16xf32>,
    tpu.vector_store %arg7[%swap3A_208], %gather3A_207 {strides = array<i32>} : memref<1024xf32, #tpu.memory_space<vmem>>, vector<16xf32>,
    %get3A_210 = arith.constant 224 : index
    %get3A_211 = tpu.vector_load %arg6[%get3A_210] {strides = array<i32>} : memref<1024xf32, #tpu.memory_space<vmem>>, vector<16xf32>,
    %mul3A_212 = arith.constant 1.000000e+03 : f32
    %mul3A_213 = vector.broadcast %mul3A_212 : f32 to vector<16xf32>
    %mul3A_214 = arith.mulf %get3A_211, %mul3A_213 : vector<16xf32>
    %add3A_215 = arith.constant 0x4B400000 : f32
    %add3A_216 = vector.broadcast %add3A_215 : f32 to vector<16xf32>
    %add3A_217 = arith.addf %mul3A_214, %add3A_216 : vector<16xf32>
    %bitcast_convert_type3A_218 = tpu.bitcast %add3A_217 : vector<16xf32> -> vector<16xi32>
    %sub3A_219 = arith.constant 1262485504 : i32
    %sub3A_220 = vector.broadcast %sub3A_219 : i32 to vector<16xi32>
    %sub3A_221 = arith.subi %bitcast_convert_type3A_218, %sub3A_220 : vector<16xi32>
    %gather3A_222 = tpu.vector_load_idx %arg5[%sub3A_221] : memref<1001xf32, #tpu.memory_space<vmem>>[vector<16xi32>], vector<16xf32>,
    %swap3A_223 = arith.constant 224 : index
    %swap3A_224 = tpu.vector_load %arg7[%swap3A_223] {strides = array<i32>} : memref<1024xf32, #tpu.memory_space<vmem>>, vector<16xf32>,
    tpu.vector_store %arg7[%swap3A_223], %gather3A_222 {strides = array<i32>} : memref<1024xf32, #tpu.memory_space<vmem>>, vector<16xf32>,
    %get3A_225 = arith.constant 240 : index
    %get3A_226 = tpu.vector_load %arg6[%get3A_225] {strides = array<i32>} : memref<1024xf32, #tpu.memory_space<vmem>>, vector<16xf32>,
    %mul3A_227 = arith.constant 1.000000e+03 : f32
    %mul3A_228 = vector.broadcast %mul3A_227 : f32 to vector<16xf32>
    %mul3A_229 = arith.mulf %get3A_226, %mul3A_228 : vector<16xf32>
    %add3A_230 = arith.constant 0x4B400000 : f32
    %add3A_231 = vector.broadcast %add3A_230 : f32 to vector<16xf32>
    %add3A_232 = arith.addf %mul3A_229, %add3A_231 : vector<16xf32>
    %bitcast_convert_type3A_233 = tpu.bitcast %add3A_232 : vector<16xf32> -> vector<16xi32>
    %sub3A_234 = arith.constant 1262485504 : i32
    %sub3A_235 = vector.broadcast %sub3A_234 : i32 to vector<16xi32>
    %sub3A_236 = arith.subi %bitcast_convert_type3A_233, %sub3A_235 : vector<16xi32>
    %gather3A_237 = tpu.vector_load_idx %arg5[%sub3A_236] : memref<1001xf32, #tpu.memory_space<vmem>>[vector<16xi32>], vector<16xf32>,
    %swap3A_238 = arith.constant 240 : index
    %swap3A_239 = tpu.vector_load %arg7[%swap3A_238] {strides = array<i32>} : memref<1024xf32, #tpu.memory_space<vmem>>, vector<16xf32>,
    tpu.vector_store %arg7[%swap3A_238], %gather3A_237 {strides = array<i32>} : memref<1024xf32, #tpu.memory_space<vmem>>, vector<16xf32>,
    %get3A_240 = arith.constant 256 : index
    %get3A_241 = tpu.vector_load %arg6[%get3A_240] {strides = array<i32>} : memref<1024xf32, #tpu.memory_space<vmem>>, vector<16xf32>,
    %mul3A_242 = arith.constant 1.000000e+03 : f32
    %mul3A_243 = vector.broadcast %mul3A_242 : f32 to vector<16xf32>
    %mul3A_244 = arith.mulf %get3A_241, %mul3A_243 : vector<16xf32>
    %add3A_245 = arith.constant 0x4B400000 : f32
    %add3A_246 = vector.broadcast %add3A_245 : f32 to vector<16xf32>
    %add3A_247 = arith.addf %mul3A_244, %add3A_246 : vector<16xf32>
    %bitcast_convert_type3A_248 = tpu.bitcast %add3A_247 : vector<16xf32> -> vector<16xi32>
    %sub3A_249 = arith.constant 1262485504 : i32
    %sub3A_250 = vector.broadcast %sub3A_249 : i32 to vector<16xi32>
    %sub3A_251 = arith.subi %bitcast_convert_type3A_248, %sub3A_250 : vector<16xi32>
    %gather3A_252 = tpu.vector_load_idx %arg5[%sub3A_251] : memref<1001xf32, #tpu.memory_space<vmem>>[vector<16xi32>], vector<16xf32>,
    %swap3A_253 = arith.constant 256 : index
    %swap3A_254 = tpu.vector_load %arg7[%swap3A_253] {strides = array<i32>} : memref<1024xf32, #tpu.memory_space<vmem>>, vector<16xf32>,
    tpu.vector_store %arg7[%swap3A_253], %gather3A_252 {strides = array<i32>} : memref<1024xf32, #tpu.memory_space<vmem>>, vector<16xf32>,
    %get3A_255 = arith.constant 272 : index
    %get3A_256 = tpu.vector_load %arg6[%get3A_255] {strides = array<i32>} : memref<1024xf32, #tpu.memory_space<vmem>>, vector<16xf32>,
    %mul3A_257 = arith.constant 1.000000e+03 : f32
    %mul3A_258 = vector.broadcast %mul3A_257 : f32 to vector<16xf32>
    %mul3A_259 = arith.mulf %get3A_256, %mul3A_258 : vector<16xf32>
    %add3A_260 = arith.constant 0x4B400000 : f32
    %add3A_261 = vector.broadcast %add3A_260 : f32 to vector<16xf32>
    %add3A_262 = arith.addf %mul3A_259, %add3A_261 : vector<16xf32>
    %bitcast_convert_type3A_263 = tpu.bitcast %add3A_262 : vector<16xf32> -> vector<16xi32>
    %sub3A_264 = arith.constant 1262485504 : i32
    %sub3A_265 = vector.broadcast %sub3A_264 : i32 to vector<16xi32>
    %sub3A_266 = arith.subi %bitcast_convert_type3A_263, %sub3A_265 : vector<16xi32>
    %gather3A_267 = tpu.vector_load_idx %arg5[%sub3A_266] : memref<1001xf32, #tpu.memory_space<vmem>>[vector<16xi32>], vector<16xf32>,
    %swap3A_268 = arith.constant 272 : index
    %swap3A_269 = tpu.vector_load %arg7[%swap3A_268] {strides = array<i32>} : memref<1024xf32, #tpu.memory_space<vmem>>, vector<16xf32>,
    tpu.vector_store %arg7[%swap3A_268], %gather3A_267 {strides = array<i32>} : memref<1024xf32, #tpu.memory_space<vmem>>, vector<16xf32>,
    %get3A_270 = arith.constant 288 : index
    %get3A_271 = tpu.vector_load %arg6[%get3A_270] {strides = array<i32>} : memref<1024xf32, #tpu.memory_space<vmem>>, vector<16xf32>,
    %mul3A_272 = arith.constant 1.000000e+03 : f32
    %mul3A_273 = vector.broadcast %mul3A_272 : f32 to vector<16xf32>
    %mul3A_274 = arith.mulf %get3A_271, %mul3A_273 : vector<16xf32>
    %add3A_275 = arith.constant 0x4B400000 : f32
    %add3A_276 = vector.broadcast %add3A_275 : f32 to vector<16xf32>
    %add3A_277 = arith.addf %mul3A_274, %add3A_276 : vector<16xf32>
    %bitcast_convert_type3A_278 = tpu.bitcast %add3A_277 : vector<16xf32> -> vector<16xi32>
    %sub3A_279 = arith.constant 1262485504 : i32
    %sub3A_280 = vector.broadcast %sub3A_279 : i32 to vector<16xi32>
    %sub3A_281 = arith.subi %bitcast_convert_type3A_278, %sub3A_280 : vector<16xi32>
    %gather3A_282 = tpu.vector_load_idx %arg5[%sub3A_281] : memref<1001xf32, #tpu.memory_space<vmem>>[vector<16xi32>], vector<16xf32>,
    %swap3A_283 = arith.constant 288 : index
    %swap3A_284 = tpu.vector_load %arg7[%swap3A_283] {strides = array<i32>} : memref<1024xf32, #tpu.memory_space<vmem>>, vector<16xf32>,
    tpu.vector_store %arg7[%swap3A_283], %gather3A_282 {strides = array<i32>} : memref<1024xf32, #tpu.memory_space<vmem>>, vector<16xf32>,
    %get3A_285 = arith.constant 304 : index
    %get3A_286 = tpu.vector_load %arg6[%get3A_285] {strides = array<i32>} : memref<1024xf32, #tpu.memory_space<vmem>>, vector<16xf32>,
    %mul3A_287 = arith.constant 1.000000e+03 : f32
    %mul3A_288 = vector.broadcast %mul3A_287 : f32 to vector<16xf32>
    %mul3A_289 = arith.mulf %get3A_286, %mul3A_288 : vector<16xf32>
    %add3A_290 = arith.constant 0x4B400000 : f32
    %add3A_291 = vector.broadcast %add3A_290 : f32 to vector<16xf32>
    %add3A_292 = arith.addf %mul3A_289, %add3A_291 : vector<16xf32>
    %bitcast_convert_type3A_293 = tpu.bitcast %add3A_292 : vector<16xf32> -> vector<16xi32>
    %sub3A_294 = arith.constant 1262485504 : i32
    %sub3A_295 = vector.broadcast %sub3A_294 : i32 to vector<16xi32>
    %sub3A_296 = arith.subi %bitcast_convert_type3A_293, %sub3A_295 : vector<16xi32>
    %gather3A_297 = tpu.vector_load_idx %arg5[%sub3A_296] : memref<1001xf32, #tpu.memory_space<vmem>>[vector<16xi32>], vector<16xf32>,
    %swap3A_298 = arith.constant 304 : index
    %swap3A_299 = tpu.vector_load %arg7[%swap3A_298] {strides = array<i32>} : memref<1024xf32, #tpu.memory_space<vmem>>, vector<16xf32>,
    tpu.vector_store %arg7[%swap3A_298], %gather3A_297 {strides = array<i32>} : memref<1024xf32, #tpu.memory_space<vmem>>, vector<16xf32>,
    %get3A_300 = arith.constant 320 : index
    %get3A_301 = tpu.vector_load %arg6[%get3A_300] {strides = array<i32>} : memref<1024xf32, #tpu.memory_space<vmem>>, vector<16xf32>,
    %mul3A_302 = arith.constant 1.000000e+03 : f32
    %mul3A_303 = vector.broadcast %mul3A_302 : f32 to vector<16xf32>
    %mul3A_304 = arith.mulf %get3A_301, %mul3A_303 : vector<16xf32>
    %add3A_305 = arith.constant 0x4B400000 : f32
    %add3A_306 = vector.broadcast %add3A_305 : f32 to vector<16xf32>
    %add3A_307 = arith.addf %mul3A_304, %add3A_306 : vector<16xf32>
    %bitcast_convert_type3A_308 = tpu.bitcast %add3A_307 : vector<16xf32> -> vector<16xi32>
    %sub3A_309 = arith.constant 1262485504 : i32
    %sub3A_310 = vector.broadcast %sub3A_309 : i32 to vector<16xi32>
    %sub3A_311 = arith.subi %bitcast_convert_type3A_308, %sub3A_310 : vector<16xi32>
    %gather3A_312 = tpu.vector_load_idx %arg5[%sub3A_311] : memref<1001xf32, #tpu.memory_space<vmem>>[vector<16xi32>], vector<16xf32>,
    %swap3A_313 = arith.constant 320 : index
    %swap3A_314 = tpu.vector_load %arg7[%swap3A_313] {strides = array<i32>} : memref<1024xf32, #tpu.memory_space<vmem>>, vector<16xf32>,
    tpu.vector_store %arg7[%swap3A_313], %gather3A_312 {strides = array<i32>} : memref<1024xf32, #tpu.memory_space<vmem>>, vector<16xf32>,
    %get3A_315 = arith.constant 336 : index
    %get3A_316 = tpu.vector_load %arg6[%get3A_315] {strides = array<i32>} : memref<1024xf32, #tpu.memory_space<vmem>>, vector<16xf32>,
    %mul3A_317 = arith.constant 1.000000e+03 : f32
    %mul3A_318 = vector.broadcast %mul3A_317 : f32 to vector<16xf32>
    %mul3A_319 = arith.mulf %get3A_316, %mul3A_318 : vector<16xf32>
    %add3A_320 = arith.constant 0x4B400000 : f32
    %add3A_321 = vector.broadcast %add3A_320 : f32 to vector<16xf32>
    %add3A_322 = arith.addf %mul3A_319, %add3A_321 : vector<16xf32>
    %bitcast_convert_type3A_323 = tpu.bitcast %add3A_322 : vector<16xf32> -> vector<16xi32>
    %sub3A_324 = arith.constant 1262485504 : i32
    %sub3A_325 = vector.broadcast %sub3A_324 : i32 to vector<16xi32>
    %sub3A_326 = arith.subi %bitcast_convert_type3A_323, %sub3A_325 : vector<16xi32>
    %gather3A_327 = tpu.vector_load_idx %arg5[%sub3A_326] : memref<1001xf32, #tpu.memory_space<vmem>>[vector<16xi32>], vector<16xf32>,
    %swap3A_328 = arith.constant 336 : index
    %swap3A_329 = tpu.vector_load %arg7[%swap3A_328] {strides = array<i32>} : memref<1024xf32, #tpu.memory_space<vmem>>, vector<16xf32>,
    tpu.vector_store %arg7[%swap3A_328], %gather3A_327 {strides = array<i32>} : memref<1024xf32, #tpu.memory_space<vmem>>, vector<16xf32>,
    %get3A_330 = arith.constant 352 : index
    %get3A_331 = tpu.vector_load %arg6[%get3A_330] {strides = array<i32>} : memref<1024xf32, #tpu.memory_space<vmem>>, vector<16xf32>,
    %mul3A_332 = arith.constant 1.000000e+03 : f32
    %mul3A_333 = vector.broadcast %mul3A_332 : f32 to vector<16xf32>
    %mul3A_334 = arith.mulf %get3A_331, %mul3A_333 : vector<16xf32>
    %add3A_335 = arith.constant 0x4B400000 : f32
    %add3A_336 = vector.broadcast %add3A_335 : f32 to vector<16xf32>
    %add3A_337 = arith.addf %mul3A_334, %add3A_336 : vector<16xf32>
    %bitcast_convert_type3A_338 = tpu.bitcast %add3A_337 : vector<16xf32> -> vector<16xi32>
    %sub3A_339 = arith.constant 1262485504 : i32
    %sub3A_340 = vector.broadcast %sub3A_339 : i32 to vector<16xi32>
    %sub3A_341 = arith.subi %bitcast_convert_type3A_338, %sub3A_340 : vector<16xi32>
    %gather3A_342 = tpu.vector_load_idx %arg5[%sub3A_341] : memref<1001xf32, #tpu.memory_space<vmem>>[vector<16xi32>], vector<16xf32>,
    %swap3A_343 = arith.constant 352 : index
    %swap3A_344 = tpu.vector_load %arg7[%swap3A_343] {strides = array<i32>} : memref<1024xf32, #tpu.memory_space<vmem>>, vector<16xf32>,
    tpu.vector_store %arg7[%swap3A_343], %gather3A_342 {strides = array<i32>} : memref<1024xf32, #tpu.memory_space<vmem>>, vector<16xf32>,
    %get3A_345 = arith.constant 368 : index
    %get3A_346 = tpu.vector_load %arg6[%get3A_345] {strides = array<i32>} : memref<1024xf32, #tpu.memory_space<vmem>>, vector<16xf32>,
    %mul3A_347 = arith.constant 1.000000e+03 : f32
    %mul3A_348 = vector.broadcast %mul3A_347 : f32 to vector<16xf32>
    %mul3A_349 = arith.mulf %get3A_346, %mul3A_348 : vector<16xf32>
    %add3A_350 = arith.constant 0x4B400000 : f32
    %add3A_351 = vector.broadcast %add3A_350 : f32 to vector<16xf32>
    %add3A_352 = arith.addf %mul3A_349, %add3A_351 : vector<16xf32>
    %bitcast_convert_type3A_353 = tpu.bitcast %add3A_352 : vector<16xf32> -> vector<16xi32>
    %sub3A_354 = arith.constant 1262485504 : i32
    %sub3A_355 = vector.broadcast %sub3A_354 : i32 to vector<16xi32>
    %sub3A_356 = arith.subi %bitcast_convert_type3A_353, %sub3A_355 : vector<16xi32>
    %gather3A_357 = tpu.vector_load_idx %arg5[%sub3A_356] : memref<1001xf32, #tpu.memory_space<vmem>>[vector<16xi32>], vector<16xf32>,
    %swap3A_358 = arith.constant 368 : index
    %swap3A_359 = tpu.vector_load %arg7[%swap3A_358] {strides = array<i32>} : memref<1024xf32, #tpu.memory_space<vmem>>, vector<16xf32>,
    tpu.vector_store %arg7[%swap3A_358], %gather3A_357 {strides = array<i32>} : memref<1024xf32, #tpu.memory_space<vmem>>, vector<16xf32>,
    %get3A_360 = arith.constant 384 : index
    %get3A_361 = tpu.vector_load %arg6[%get3A_360] {strides = array<i32>} : memref<1024xf32, #tpu.memory_space<vmem>>, vector<16xf32>,
    %mul3A_362 = arith.constant 1.000000e+03 : f32
    %mul3A_363 = vector.broadcast %mul3A_362 : f32 to vector<16xf32>
    %mul3A_364 = arith.mulf %get3A_361, %mul3A_363 : vector<16xf32>
    %add3A_365 = arith.constant 0x4B400000 : f32
    %add3A_366 = vector.broadcast %add3A_365 : f32 to vector<16xf32>
    %add3A_367 = arith.addf %mul3A_364, %add3A_366 : vector<16xf32>
    %bitcast_convert_type3A_368 = tpu.bitcast %add3A_367 : vector<16xf32> -> vector<16xi32>
    %sub3A_369 = arith.constant 1262485504 : i32
    %sub3A_370 = vector.broadcast %sub3A_369 : i32 to vector<16xi32>
    %sub3A_371 = arith.subi %bitcast_convert_type3A_368, %sub3A_370 : vector<16xi32>
    %gather3A_372 = tpu.vector_load_idx %arg5[%sub3A_371] : memref<1001xf32, #tpu.memory_space<vmem>>[vector<16xi32>], vector<16xf32>,
    %swap3A_373 = arith.constant 384 : index
    %swap3A_374 = tpu.vector_load %arg7[%swap3A_373] {strides = array<i32>} : memref<1024xf32, #tpu.memory_space<vmem>>, vector<16xf32>,
    tpu.vector_store %arg7[%swap3A_373], %gather3A_372 {strides = array<i32>} : memref<1024xf32, #tpu.memory_space<vmem>>, vector<16xf32>,
    %get3A_375 = arith.constant 400 : index
    %get3A_376 = tpu.vector_load %arg6[%get3A_375] {strides = array<i32>} : memref<1024xf32, #tpu.memory_space<vmem>>, vector<16xf32>,
    %mul3A_377 = arith.constant 1.000000e+03 : f32
    %mul3A_378 = vector.broadcast %mul3A_377 : f32 to vector<16xf32>
    %mul3A_379 = arith.mulf %get3A_376, %mul3A_378 : vector<16xf32>
    %add3A_380 = arith.constant 0x4B400000 : f32
    %add3A_381 = vector.broadcast %add3A_380 : f32 to vector<16xf32>
    %add3A_382 = arith.addf %mul3A_379, %add3A_381 : vector<16xf32>
    %bitcast_convert_type3A_383 = tpu.bitcast %add3A_382 : vector<16xf32> -> vector<16xi32>
    %sub3A_384 = arith.constant 1262485504 : i32
    %sub3A_385 = vector.broadcast %sub3A_384 : i32 to vector<16xi32>
    %sub3A_386 = arith.subi %bitcast_convert_type3A_383, %sub3A_385 : vector<16xi32>
    %gather3A_387 = tpu.vector_load_idx %arg5[%sub3A_386] : memref<1001xf32, #tpu.memory_space<vmem>>[vector<16xi32>], vector<16xf32>,
    %swap3A_388 = arith.constant 400 : index
    %swap3A_389 = tpu.vector_load %arg7[%swap3A_388] {strides = array<i32>} : memref<1024xf32, #tpu.memory_space<vmem>>, vector<16xf32>,
    tpu.vector_store %arg7[%swap3A_388], %gather3A_387 {strides = array<i32>} : memref<1024xf32, #tpu.memory_space<vmem>>, vector<16xf32>,
    %get3A_390 = arith.constant 416 : index
    %get3A_391 = tpu.vector_load %arg6[%get3A_390] {strides = array<i32>} : memref<1024xf32, #tpu.memory_space<vmem>>, vector<16xf32>,
    %mul3A_392 = arith.constant 1.000000e+03 : f32
    %mul3A_393 = vector.broadcast %mul3A_392 : f32 to vector<16xf32>
    %mul3A_394 = arith.mulf %get3A_391, %mul3A_393 : vector<16xf32>
    %add3A_395 = arith.constant 0x4B400000 : f32
    %add3A_396 = vector.broadcast %add3A_395 : f32 to vector<16xf32>
    %add3A_397 = arith.addf %mul3A_394, %add3A_396 : vector<16xf32>
    %bitcast_convert_type3A_398 = tpu.bitcast %add3A_397 : vector<16xf32> -> vector<16xi32>
    %sub3A_399 = arith.constant 1262485504 : i32
    %sub3A_400 = vector.broadcast %sub3A_399 : i32 to vector<16xi32>
    %sub3A_401 = arith.subi %bitcast_convert_type3A_398, %sub3A_400 : vector<16xi32>
    %gather3A_402 = tpu.vector_load_idx %arg5[%sub3A_401] : memref<1001xf32, #tpu.memory_space<vmem>>[vector<16xi32>], vector<16xf32>,
    %swap3A_403 = arith.constant 416 : index
    %swap3A_404 = tpu.vector_load %arg7[%swap3A_403] {strides = array<i32>} : memref<1024xf32, #tpu.memory_space<vmem>>, vector<16xf32>,
    tpu.vector_store %arg7[%swap3A_403], %gather3A_402 {strides = array<i32>} : memref<1024xf32, #tpu.memory_space<vmem>>, vector<16xf32>,
    %get3A_405 = arith.constant 432 : index
    %get3A_406 = tpu.vector_load %arg6[%get3A_405] {strides = array<i32>} : memref<1024xf32, #tpu.memory_space<vmem>>, vector<16xf32>,
    %mul3A_407 = arith.constant 1.000000e+03 : f32
    %mul3A_408 = vector.broadcast %mul3A_407 : f32 to vector<16xf32>
    %mul3A_409 = arith.mulf %get3A_406, %mul3A_408 : vector<16xf32>
    %add3A_410 = arith.constant 0x4B400000 : f32
    %add3A_411 = vector.broadcast %add3A_410 : f32 to vector<16xf32>
    %add3A_412 = arith.addf %mul3A_409, %add3A_411 : vector<16xf32>
    %bitcast_convert_type3A_413 = tpu.bitcast %add3A_412 : vector<16xf32> -> vector<16xi32>
    %sub3A_414 = arith.constant 1262485504 : i32
    %sub3A_415 = vector.broadcast %sub3A_414 : i32 to vector<16xi32>
    %sub3A_416 = arith.subi %bitcast_convert_type3A_413, %sub3A_415 : vector<16xi32>
    %gather3A_417 = tpu.vector_load_idx %arg5[%sub3A_416] : memref<1001xf32, #tpu.memory_space<vmem>>[vector<16xi32>], vector<16xf32>,
    %swap3A_418 = arith.constant 432 : index
    %swap3A_419 = tpu.vector_load %arg7[%swap3A_418] {strides = array<i32>} : memref<1024xf32, #tpu.memory_space<vmem>>, vector<16xf32>,
    tpu.vector_store %arg7[%swap3A_418], %gather3A_417 {strides = array<i32>} : memref<1024xf32, #tpu.memory_space<vmem>>, vector<16xf32>,
    %get3A_420 = arith.constant 448 : index
    %get3A_421 = tpu.vector_load %arg6[%get3A_420] {strides = array<i32>} : memref<1024xf32, #tpu.memory_space<vmem>>, vector<16xf32>,
    %mul3A_422 = arith.constant 1.000000e+03 : f32
    %mul3A_423 = vector.broadcast %mul3A_422 : f32 to vector<16xf32>
    %mul3A_424 = arith.mulf %get3A_421, %mul3A_423 : vector<16xf32>
    %add3A_425 = arith.constant 0x4B400000 : f32
    %add3A_426 = vector.broadcast %add3A_425 : f32 to vector<16xf32>
    %add3A_427 = arith.addf %mul3A_424, %add3A_426 : vector<16xf32>
    %bitcast_convert_type3A_428 = tpu.bitcast %add3A_427 : vector<16xf32> -> vector<16xi32>
    %sub3A_429 = arith.constant 1262485504 : i32
    %sub3A_430 = vector.broadcast %sub3A_429 : i32 to vector<16xi32>
    %sub3A_431 = arith.subi %bitcast_convert_type3A_428, %sub3A_430 : vector<16xi32>
    %gather3A_432 = tpu.vector_load_idx %arg5[%sub3A_431] : memref<1001xf32, #tpu.memory_space<vmem>>[vector<16xi32>], vector<16xf32>,
    %swap3A_433 = arith.constant 448 : index
    %swap3A_434 = tpu.vector_load %arg7[%swap3A_433] {strides = array<i32>} : memref<1024xf32, #tpu.memory_space<vmem>>, vector<16xf32>,
    tpu.vector_store %arg7[%swap3A_433], %gather3A_432 {strides = array<i32>} : memref<1024xf32, #tpu.memory_space<vmem>>, vector<16xf32>,
    %get3A_435 = arith.constant 464 : index
    %get3A_436 = tpu.vector_load %arg6[%get3A_435] {strides = array<i32>} : memref<1024xf32, #tpu.memory_space<vmem>>, vector<16xf32>,
    %mul3A_437 = arith.constant 1.000000e+03 : f32
    %mul3A_438 = vector.broadcast %mul3A_437 : f32 to vector<16xf32>
    %mul3A_439 = arith.mulf %get3A_436, %mul3A_438 : vector<16xf32>
    %add3A_440 = arith.constant 0x4B400000 : f32
    %add3A_441 = vector.broadcast %add3A_440 : f32 to vector<16xf32>
    %add3A_442 = arith.addf %mul3A_439, %add3A_441 : vector<16xf32>
    %bitcast_convert_type3A_443 = tpu.bitcast %add3A_442 : vector<16xf32> -> vector<16xi32>
    %sub3A_444 = arith.constant 1262485504 : i32
    %sub3A_445 = vector.broadcast %sub3A_444 : i32 to vector<16xi32>
    %sub3A_446 = arith.subi %bitcast_convert_type3A_443, %sub3A_445 : vector<16xi32>
    %gather3A_447 = tpu.vector_load_idx %arg5[%sub3A_446] : memref<1001xf32, #tpu.memory_space<vmem>>[vector<16xi32>], vector<16xf32>,
    %swap3A_448 = arith.constant 464 : index
    %swap3A_449 = tpu.vector_load %arg7[%swap3A_448] {strides = array<i32>} : memref<1024xf32, #tpu.memory_space<vmem>>, vector<16xf32>,
    tpu.vector_store %arg7[%swap3A_448], %gather3A_447 {strides = array<i32>} : memref<1024xf32, #tpu.memory_space<vmem>>, vector<16xf32>,
    %get3A_450 = arith.constant 480 : index
    %get3A_451 = tpu.vector_load %arg6[%get3A_450] {strides = array<i32>} : memref<1024xf32, #tpu.memory_space<vmem>>, vector<16xf32>,
    %mul3A_452 = arith.constant 1.000000e+03 : f32
    %mul3A_453 = vector.broadcast %mul3A_452 : f32 to vector<16xf32>
    %mul3A_454 = arith.mulf %get3A_451, %mul3A_453 : vector<16xf32>
    %add3A_455 = arith.constant 0x4B400000 : f32
    %add3A_456 = vector.broadcast %add3A_455 : f32 to vector<16xf32>
    %add3A_457 = arith.addf %mul3A_454, %add3A_456 : vector<16xf32>
    %bitcast_convert_type3A_458 = tpu.bitcast %add3A_457 : vector<16xf32> -> vector<16xi32>
    %sub3A_459 = arith.constant 1262485504 : i32
    %sub3A_460 = vector.broadcast %sub3A_459 : i32 to vector<16xi32>
    %sub3A_461 = arith.subi %bitcast_convert_type3A_458, %sub3A_460 : vector<16xi32>
    %gather3A_462 = tpu.vector_load_idx %arg5[%sub3A_461] : memref<1001xf32, #tpu.memory_space<vmem>>[vector<16xi32>], vector<16xf32>,
    %swap3A_463 = arith.constant 480 : index
    %swap3A_464 = tpu.vector_load %arg7[%swap3A_463] {strides = array<i32>} : memref<1024xf32, #tpu.memory_space<vmem>>, vector<16xf32>,
    tpu.vector_store %arg7[%swap3A_463], %gather3A_462 {strides = array<i32>} : memref<1024xf32, #tpu.memory_space<vmem>>, vector<16xf32>,
    %get3A_465 = arith.constant 496 : index
    %get3A_466 = tpu.vector_load %arg6[%get3A_465] {strides = array<i32>} : memref<1024xf32, #tpu.memory_space<vmem>>, vector<16xf32>,
    %mul3A_467 = arith.constant 1.000000e+03 : f32
    %mul3A_468 = vector.broadcast %mul3A_467 : f32 to vector<16xf32>
    %mul3A_469 = arith.mulf %get3A_466, %mul3A_468 : vector<16xf32>
    %add3A_470 = arith.constant 0x4B400000 : f32
    %add3A_471 = vector.broadcast %add3A_470 : f32 to vector<16xf32>
    %add3A_472 = arith.addf %mul3A_469, %add3A_471 : vector<16xf32>
    %bitcast_convert_type3A_473 = tpu.bitcast %add3A_472 : vector<16xf32> -> vector<16xi32>
    %sub3A_474 = arith.constant 1262485504 : i32
    %sub3A_475 = vector.broadcast %sub3A_474 : i32 to vector<16xi32>
    %sub3A_476 = arith.subi %bitcast_convert_type3A_473, %sub3A_475 : vector<16xi32>
    %gather3A_477 = tpu.vector_load_idx %arg5[%sub3A_476] : memref<1001xf32, #tpu.memory_space<vmem>>[vector<16xi32>], vector<16xf32>,
    %swap3A_478 = arith.constant 496 : index
    %swap3A_479 = tpu.vector_load %arg7[%swap3A_478] {strides = array<i32>} : memref<1024xf32, #tpu.memory_space<vmem>>, vector<16xf32>,
    tpu.vector_store %arg7[%swap3A_478], %gather3A_477 {strides = array<i32>} : memref<1024xf32, #tpu.memory_space<vmem>>, vector<16xf32>,
    %get3A_480 = arith.constant 512 : index
    %get3A_481 = tpu.vector_load %arg6[%get3A_480] {strides = array<i32>} : memref<1024xf32, #tpu.memory_space<vmem>>, vector<16xf32>,
    %mul3A_482 = arith.constant 1.000000e+03 : f32
    %mul3A_483 = vector.broadcast %mul3A_482 : f32 to vector<16xf32>
    %mul3A_484 = arith.mulf %get3A_481, %mul3A_483 : vector<16xf32>
    %add3A_485 = arith.constant 0x4B400000 : f32
    %add3A_486 = vector.broadcast %add3A_485 : f32 to vector<16xf32>
    %add3A_487 = arith.addf %mul3A_484, %add3A_486 : vector<16xf32>
    %bitcast_convert_type3A_488 = tpu.bitcast %add3A_487 : vector<16xf32> -> vector<16xi32>
    %sub3A_489 = arith.constant 1262485504 : i32
    %sub3A_490 = vector.broadcast %sub3A_489 : i32 to vector<16xi32>
    %sub3A_491 = arith.subi %bitcast_convert_type3A_488, %sub3A_490 : vector<16xi32>
    %gather3A_492 = tpu.vector_load_idx %arg5[%sub3A_491] : memref<1001xf32, #tpu.memory_space<vmem>>[vector<16xi32>], vector<16xf32>,
    %swap3A_493 = arith.constant 512 : index
    %swap3A_494 = tpu.vector_load %arg7[%swap3A_493] {strides = array<i32>} : memref<1024xf32, #tpu.memory_space<vmem>>, vector<16xf32>,
    tpu.vector_store %arg7[%swap3A_493], %gather3A_492 {strides = array<i32>} : memref<1024xf32, #tpu.memory_space<vmem>>, vector<16xf32>,
    %get3A_495 = arith.constant 528 : index
    %get3A_496 = tpu.vector_load %arg6[%get3A_495] {strides = array<i32>} : memref<1024xf32, #tpu.memory_space<vmem>>, vector<16xf32>,
    %mul3A_497 = arith.constant 1.000000e+03 : f32
    %mul3A_498 = vector.broadcast %mul3A_497 : f32 to vector<16xf32>
    %mul3A_499 = arith.mulf %get3A_496, %mul3A_498 : vector<16xf32>
    %add3A_500 = arith.constant 0x4B400000 : f32
    %add3A_501 = vector.broadcast %add3A_500 : f32 to vector<16xf32>
    %add3A_502 = arith.addf %mul3A_499, %add3A_501 : vector<16xf32>
    %bitcast_convert_type3A_503 = tpu.bitcast %add3A_502 : vector<16xf32> -> vector<16xi32>
    %sub3A_504 = arith.constant 1262485504 : i32
    %sub3A_505 = vector.broadcast %sub3A_504 : i32 to vector<16xi32>
    %sub3A_506 = arith.subi %bitcast_convert_type3A_503, %sub3A_505 : vector<16xi32>
    %gather3A_507 = tpu.vector_load_idx %arg5[%sub3A_506] : memref<1001xf32, #tpu.memory_space<vmem>>[vector<16xi32>], vector<16xf32>,
    %swap3A_508 = arith.constant 528 : index
    %swap3A_509 = tpu.vector_load %arg7[%swap3A_508] {strides = array<i32>} : memref<1024xf32, #tpu.memory_space<vmem>>, vector<16xf32>,
    tpu.vector_store %arg7[%swap3A_508], %gather3A_507 {strides = array<i32>} : memref<1024xf32, #tpu.memory_space<vmem>>, vector<16xf32>,
    %get3A_510 = arith.constant 544 : index
    %get3A_511 = tpu.vector_load %arg6[%get3A_510] {strides = array<i32>} : memref<1024xf32, #tpu.memory_space<vmem>>, vector<16xf32>,
    %mul3A_512 = arith.constant 1.000000e+03 : f32
    %mul3A_513 = vector.broadcast %mul3A_512 : f32 to vector<16xf32>
    %mul3A_514 = arith.mulf %get3A_511, %mul3A_513 : vector<16xf32>
    %add3A_515 = arith.constant 0x4B400000 : f32
    %add3A_516 = vector.broadcast %add3A_515 : f32 to vector<16xf32>
    %add3A_517 = arith.addf %mul3A_514, %add3A_516 : vector<16xf32>
    %bitcast_convert_type3A_518 = tpu.bitcast %add3A_517 : vector<16xf32> -> vector<16xi32>
    %sub3A_519 = arith.constant 1262485504 : i32
    %sub3A_520 = vector.broadcast %sub3A_519 : i32 to vector<16xi32>
    %sub3A_521 = arith.subi %bitcast_convert_type3A_518, %sub3A_520 : vector<16xi32>
    %gather3A_522 = tpu.vector_load_idx %arg5[%sub3A_521] : memref<1001xf32, #tpu.memory_space<vmem>>[vector<16xi32>], vector<16xf32>,
    %swap3A_523 = arith.constant 544 : index
    %swap3A_524 = tpu.vector_load %arg7[%swap3A_523] {strides = array<i32>} : memref<1024xf32, #tpu.memory_space<vmem>>, vector<16xf32>,
    tpu.vector_store %arg7[%swap3A_523], %gather3A_522 {strides = array<i32>} : memref<1024xf32, #tpu.memory_space<vmem>>, vector<16xf32>,
    %get3A_525 = arith.constant 560 : index
    %get3A_526 = tpu.vector_load %arg6[%get3A_525] {strides = array<i32>} : memref<1024xf32, #tpu.memory_space<vmem>>, vector<16xf32>,
    %mul3A_527 = arith.constant 1.000000e+03 : f32
    %mul3A_528 = vector.broadcast %mul3A_527 : f32 to vector<16xf32>
    %mul3A_529 = arith.mulf %get3A_526, %mul3A_528 : vector<16xf32>
    %add3A_530 = arith.constant 0x4B400000 : f32
    %add3A_531 = vector.broadcast %add3A_530 : f32 to vector<16xf32>
    %add3A_532 = arith.addf %mul3A_529, %add3A_531 : vector<16xf32>
    %bitcast_convert_type3A_533 = tpu.bitcast %add3A_532 : vector<16xf32> -> vector<16xi32>
    %sub3A_534 = arith.constant 1262485504 : i32
    %sub3A_535 = vector.broadcast %sub3A_534 : i32 to vector<16xi32>
    %sub3A_536 = arith.subi %bitcast_convert_type3A_533, %sub3A_535 : vector<16xi32>
    %gather3A_537 = tpu.vector_load_idx %arg5[%sub3A_536] : memref<1001xf32, #tpu.memory_space<vmem>>[vector<16xi32>], vector<16xf32>,
    %swap3A_538 = arith.constant 560 : index
    %swap3A_539 = tpu.vector_load %arg7[%swap3A_538] {strides = array<i32>} : memref<1024xf32, #tpu.memory_space<vmem>>, vector<16xf32>,
    tpu.vector_store %arg7[%swap3A_538], %gather3A_537 {strides = array<i32>} : memref<1024xf32, #tpu.memory_space<vmem>>, vector<16xf32>,
    %get3A_540 = arith.constant 576 : index
    %get3A_541 = tpu.vector_load %arg6[%get3A_540] {strides = array<i32>} : memref<1024xf32, #tpu.memory_space<vmem>>, vector<16xf32>,
    %mul3A_542 = arith.constant 1.000000e+03 : f32
    %mul3A_543 = vector.broadcast %mul3A_542 : f32 to vector<16xf32>
    %mul3A_544 = arith.mulf %get3A_541, %mul3A_543 : vector<16xf32>
    %add3A_545 = arith.constant 0x4B400000 : f32
    %add3A_546 = vector.broadcast %add3A_545 : f32 to vector<16xf32>
    %add3A_547 = arith.addf %mul3A_544, %add3A_546 : vector<16xf32>
    %bitcast_convert_type3A_548 = tpu.bitcast %add3A_547 : vector<16xf32> -> vector<16xi32>
    %sub3A_549 = arith.constant 1262485504 : i32
    %sub3A_550 = vector.broadcast %sub3A_549 : i32 to vector<16xi32>
    %sub3A_551 = arith.subi %bitcast_convert_type3A_548, %sub3A_550 : vector<16xi32>
    %gather3A_552 = tpu.vector_load_idx %arg5[%sub3A_551] : memref<1001xf32, #tpu.memory_space<vmem>>[vector<16xi32>], vector<16xf32>,
    %swap3A_553 = arith.constant 576 : index
    %swap3A_554 = tpu.vector_load %arg7[%swap3A_553] {strides = array<i32>} : memref<1024xf32, #tpu.memory_space<vmem>>, vector<16xf32>,
    tpu.vector_store %arg7[%swap3A_553], %gather3A_552 {strides = array<i32>} : memref<1024xf32, #tpu.memory_space<vmem>>, vector<16xf32>,
    %get3A_555 = arith.constant 592 : index
    %get3A_556 = tpu.vector_load %arg6[%get3A_555] {strides = array<i32>} : memref<1024xf32, #tpu.memory_space<vmem>>, vector<16xf32>,
    %mul3A_557 = arith.constant 1.000000e+03 : f32
    %mul3A_558 = vector.broadcast %mul3A_557 : f32 to vector<16xf32>
    %mul3A_559 = arith.mulf %get3A_556, %mul3A_558 : vector<16xf32>
    %add3A_560 = arith.constant 0x4B400000 : f32
    %add3A_561 = vector.broadcast %add3A_560 : f32 to vector<16xf32>
    %add3A_562 = arith.addf %mul3A_559, %add3A_561 : vector<16xf32>
    %bitcast_convert_type3A_563 = tpu.bitcast %add3A_562 : vector<16xf32> -> vector<16xi32>
    %sub3A_564 = arith.constant 1262485504 : i32
    %sub3A_565 = vector.broadcast %sub3A_564 : i32 to vector<16xi32>
    %sub3A_566 = arith.subi %bitcast_convert_type3A_563, %sub3A_565 : vector<16xi32>
    %gather3A_567 = tpu.vector_load_idx %arg5[%sub3A_566] : memref<1001xf32, #tpu.memory_space<vmem>>[vector<16xi32>], vector<16xf32>,
    %swap3A_568 = arith.constant 592 : index
    %swap3A_569 = tpu.vector_load %arg7[%swap3A_568] {strides = array<i32>} : memref<1024xf32, #tpu.memory_space<vmem>>, vector<16xf32>,
    tpu.vector_store %arg7[%swap3A_568], %gather3A_567 {strides = array<i32>} : memref<1024xf32, #tpu.memory_space<vmem>>, vector<16xf32>,
    %get3A_570 = arith.constant 608 : index
    %get3A_571 = tpu.vector_load %arg6[%get3A_570] {strides = array<i32>} : memref<1024xf32, #tpu.memory_space<vmem>>, vector<16xf32>,
    %mul3A_572 = arith.constant 1.000000e+03 : f32
    %mul3A_573 = vector.broadcast %mul3A_572 : f32 to vector<16xf32>
    %mul3A_574 = arith.mulf %get3A_571, %mul3A_573 : vector<16xf32>
    %add3A_575 = arith.constant 0x4B400000 : f32
    %add3A_576 = vector.broadcast %add3A_575 : f32 to vector<16xf32>
    %add3A_577 = arith.addf %mul3A_574, %add3A_576 : vector<16xf32>
    %bitcast_convert_type3A_578 = tpu.bitcast %add3A_577 : vector<16xf32> -> vector<16xi32>
    %sub3A_579 = arith.constant 1262485504 : i32
    %sub3A_580 = vector.broadcast %sub3A_579 : i32 to vector<16xi32>
    %sub3A_581 = arith.subi %bitcast_convert_type3A_578, %sub3A_580 : vector<16xi32>
    %gather3A_582 = tpu.vector_load_idx %arg5[%sub3A_581] : memref<1001xf32, #tpu.memory_space<vmem>>[vector<16xi32>], vector<16xf32>,
    %swap3A_583 = arith.constant 608 : index
    %swap3A_584 = tpu.vector_load %arg7[%swap3A_583] {strides = array<i32>} : memref<1024xf32, #tpu.memory_space<vmem>>, vector<16xf32>,
    tpu.vector_store %arg7[%swap3A_583], %gather3A_582 {strides = array<i32>} : memref<1024xf32, #tpu.memory_space<vmem>>, vector<16xf32>,
    %get3A_585 = arith.constant 624 : index
    %get3A_586 = tpu.vector_load %arg6[%get3A_585] {strides = array<i32>} : memref<1024xf32, #tpu.memory_space<vmem>>, vector<16xf32>,
    %mul3A_587 = arith.constant 1.000000e+03 : f32
    %mul3A_588 = vector.broadcast %mul3A_587 : f32 to vector<16xf32>
    %mul3A_589 = arith.mulf %get3A_586, %mul3A_588 : vector<16xf32>
    %add3A_590 = arith.constant 0x4B400000 : f32
    %add3A_591 = vector.broadcast %add3A_590 : f32 to vector<16xf32>
    %add3A_592 = arith.addf %mul3A_589, %add3A_591 : vector<16xf32>
    %bitcast_convert_type3A_593 = tpu.bitcast %add3A_592 : vector<16xf32> -> vector<16xi32>
    %sub3A_594 = arith.constant 1262485504 : i32
    %sub3A_595 = vector.broadcast %sub3A_594 : i32 to vector<16xi32>
    %sub3A_596 = arith.subi %bitcast_convert_type3A_593, %sub3A_595 : vector<16xi32>
    %gather3A_597 = tpu.vector_load_idx %arg5[%sub3A_596] : memref<1001xf32, #tpu.memory_space<vmem>>[vector<16xi32>], vector<16xf32>,
    %swap3A_598 = arith.constant 624 : index
    %swap3A_599 = tpu.vector_load %arg7[%swap3A_598] {strides = array<i32>} : memref<1024xf32, #tpu.memory_space<vmem>>, vector<16xf32>,
    tpu.vector_store %arg7[%swap3A_598], %gather3A_597 {strides = array<i32>} : memref<1024xf32, #tpu.memory_space<vmem>>, vector<16xf32>,
    %get3A_600 = arith.constant 640 : index
    %get3A_601 = tpu.vector_load %arg6[%get3A_600] {strides = array<i32>} : memref<1024xf32, #tpu.memory_space<vmem>>, vector<16xf32>,
    %mul3A_602 = arith.constant 1.000000e+03 : f32
    %mul3A_603 = vector.broadcast %mul3A_602 : f32 to vector<16xf32>
    %mul3A_604 = arith.mulf %get3A_601, %mul3A_603 : vector<16xf32>
    %add3A_605 = arith.constant 0x4B400000 : f32
    %add3A_606 = vector.broadcast %add3A_605 : f32 to vector<16xf32>
    %add3A_607 = arith.addf %mul3A_604, %add3A_606 : vector<16xf32>
    %bitcast_convert_type3A_608 = tpu.bitcast %add3A_607 : vector<16xf32> -> vector<16xi32>
    %sub3A_609 = arith.constant 1262485504 : i32
    %sub3A_610 = vector.broadcast %sub3A_609 : i32 to vector<16xi32>
    %sub3A_611 = arith.subi %bitcast_convert_type3A_608, %sub3A_610 : vector<16xi32>
    %gather3A_612 = tpu.vector_load_idx %arg5[%sub3A_611] : memref<1001xf32, #tpu.memory_space<vmem>>[vector<16xi32>], vector<16xf32>,
    %swap3A_613 = arith.constant 640 : index
    %swap3A_614 = tpu.vector_load %arg7[%swap3A_613] {strides = array<i32>} : memref<1024xf32, #tpu.memory_space<vmem>>, vector<16xf32>,
    tpu.vector_store %arg7[%swap3A_613], %gather3A_612 {strides = array<i32>} : memref<1024xf32, #tpu.memory_space<vmem>>, vector<16xf32>,
    %get3A_615 = arith.constant 656 : index
    %get3A_616 = tpu.vector_load %arg6[%get3A_615] {strides = array<i32>} : memref<1024xf32, #tpu.memory_space<vmem>>, vector<16xf32>,
    %mul3A_617 = arith.constant 1.000000e+03 : f32
    %mul3A_618 = vector.broadcast %mul3A_617 : f32 to vector<16xf32>
    %mul3A_619 = arith.mulf %get3A_616, %mul3A_618 : vector<16xf32>
    %add3A_620 = arith.constant 0x4B400000 : f32
    %add3A_621 = vector.broadcast %add3A_620 : f32 to vector<16xf32>
    %add3A_622 = arith.addf %mul3A_619, %add3A_621 : vector<16xf32>
    %bitcast_convert_type3A_623 = tpu.bitcast %add3A_622 : vector<16xf32> -> vector<16xi32>
    %sub3A_624 = arith.constant 1262485504 : i32
    %sub3A_625 = vector.broadcast %sub3A_624 : i32 to vector<16xi32>
    %sub3A_626 = arith.subi %bitcast_convert_type3A_623, %sub3A_625 : vector<16xi32>
    %gather3A_627 = tpu.vector_load_idx %arg5[%sub3A_626] : memref<1001xf32, #tpu.memory_space<vmem>>[vector<16xi32>], vector<16xf32>,
    %swap3A_628 = arith.constant 656 : index
    %swap3A_629 = tpu.vector_load %arg7[%swap3A_628] {strides = array<i32>} : memref<1024xf32, #tpu.memory_space<vmem>>, vector<16xf32>,
    tpu.vector_store %arg7[%swap3A_628], %gather3A_627 {strides = array<i32>} : memref<1024xf32, #tpu.memory_space<vmem>>, vector<16xf32>,
    %get3A_630 = arith.constant 672 : index
    %get3A_631 = tpu.vector_load %arg6[%get3A_630] {strides = array<i32>} : memref<1024xf32, #tpu.memory_space<vmem>>, vector<16xf32>,
    %mul3A_632 = arith.constant 1.000000e+03 : f32
    %mul3A_633 = vector.broadcast %mul3A_632 : f32 to vector<16xf32>
    %mul3A_634 = arith.mulf %get3A_631, %mul3A_633 : vector<16xf32>
    %add3A_635 = arith.constant 0x4B400000 : f32
    %add3A_636 = vector.broadcast %add3A_635 : f32 to vector<16xf32>
    %add3A_637 = arith.addf %mul3A_634, %add3A_636 : vector<16xf32>
    %bitcast_convert_type3A_638 = tpu.bitcast %add3A_637 : vector<16xf32> -> vector<16xi32>
    %sub3A_639 = arith.constant 1262485504 : i32
    %sub3A_640 = vector.broadcast %sub3A_639 : i32 to vector<16xi32>
    %sub3A_641 = arith.subi %bitcast_convert_type3A_638, %sub3A_640 : vector<16xi32>
    %gather3A_642 = tpu.vector_load_idx %arg5[%sub3A_641] : memref<1001xf32, #tpu.memory_space<vmem>>[vector<16xi32>], vector<16xf32>,
    %swap3A_643 = arith.constant 672 : index
    %swap3A_644 = tpu.vector_load %arg7[%swap3A_643] {strides = array<i32>} : memref<1024xf32, #tpu.memory_space<vmem>>, vector<16xf32>,
    tpu.vector_store %arg7[%swap3A_643], %gather3A_642 {strides = array<i32>} : memref<1024xf32, #tpu.memory_space<vmem>>, vector<16xf32>,
    %get3A_645 = arith.constant 688 : index
    %get3A_646 = tpu.vector_load %arg6[%get3A_645] {strides = array<i32>} : memref<1024xf32, #tpu.memory_space<vmem>>, vector<16xf32>,
    %mul3A_647 = arith.constant 1.000000e+03 : f32
    %mul3A_648 = vector.broadcast %mul3A_647 : f32 to vector<16xf32>
    %mul3A_649 = arith.mulf %get3A_646, %mul3A_648 : vector<16xf32>
    %add3A_650 = arith.constant 0x4B400000 : f32
    %add3A_651 = vector.broadcast %add3A_650 : f32 to vector<16xf32>
    %add3A_652 = arith.addf %mul3A_649, %add3A_651 : vector<16xf32>
    %bitcast_convert_type3A_653 = tpu.bitcast %add3A_652 : vector<16xf32> -> vector<16xi32>
    %sub3A_654 = arith.constant 1262485504 : i32
    %sub3A_655 = vector.broadcast %sub3A_654 : i32 to vector<16xi32>
    %sub3A_656 = arith.subi %bitcast_convert_type3A_653, %sub3A_655 : vector<16xi32>
    %gather3A_657 = tpu.vector_load_idx %arg5[%sub3A_656] : memref<1001xf32, #tpu.memory_space<vmem>>[vector<16xi32>], vector<16xf32>,
    %swap3A_658 = arith.constant 688 : index
    %swap3A_659 = tpu.vector_load %arg7[%swap3A_658] {strides = array<i32>} : memref<1024xf32, #tpu.memory_space<vmem>>, vector<16xf32>,
    tpu.vector_store %arg7[%swap3A_658], %gather3A_657 {strides = array<i32>} : memref<1024xf32, #tpu.memory_space<vmem>>, vector<16xf32>,
    %get3A_660 = arith.constant 704 : index
    %get3A_661 = tpu.vector_load %arg6[%get3A_660] {strides = array<i32>} : memref<1024xf32, #tpu.memory_space<vmem>>, vector<16xf32>,
    %mul3A_662 = arith.constant 1.000000e+03 : f32
    %mul3A_663 = vector.broadcast %mul3A_662 : f32 to vector<16xf32>
    %mul3A_664 = arith.mulf %get3A_661, %mul3A_663 : vector<16xf32>
    %add3A_665 = arith.constant 0x4B400000 : f32
    %add3A_666 = vector.broadcast %add3A_665 : f32 to vector<16xf32>
    %add3A_667 = arith.addf %mul3A_664, %add3A_666 : vector<16xf32>
    %bitcast_convert_type3A_668 = tpu.bitcast %add3A_667 : vector<16xf32> -> vector<16xi32>
    %sub3A_669 = arith.constant 1262485504 : i32
    %sub3A_670 = vector.broadcast %sub3A_669 : i32 to vector<16xi32>
    %sub3A_671 = arith.subi %bitcast_convert_type3A_668, %sub3A_670 : vector<16xi32>
    %gather3A_672 = tpu.vector_load_idx %arg5[%sub3A_671] : memref<1001xf32, #tpu.memory_space<vmem>>[vector<16xi32>], vector<16xf32>,
    %swap3A_673 = arith.constant 704 : index
    %swap3A_674 = tpu.vector_load %arg7[%swap3A_673] {strides = array<i32>} : memref<1024xf32, #tpu.memory_space<vmem>>, vector<16xf32>,
    tpu.vector_store %arg7[%swap3A_673], %gather3A_672 {strides = array<i32>} : memref<1024xf32, #tpu.memory_space<vmem>>, vector<16xf32>,
    %get3A_675 = arith.constant 720 : index
    %get3A_676 = tpu.vector_load %arg6[%get3A_675] {strides = array<i32>} : memref<1024xf32, #tpu.memory_space<vmem>>, vector<16xf32>,
    %mul3A_677 = arith.constant 1.000000e+03 : f32
    %mul3A_678 = vector.broadcast %mul3A_677 : f32 to vector<16xf32>
    %mul3A_679 = arith.mulf %get3A_676, %mul3A_678 : vector<16xf32>
    %add3A_680 = arith.constant 0x4B400000 : f32
    %add3A_681 = vector.broadcast %add3A_680 : f32 to vector<16xf32>
    %add3A_682 = arith.addf %mul3A_679, %add3A_681 : vector<16xf32>
    %bitcast_convert_type3A_683 = tpu.bitcast %add3A_682 : vector<16xf32> -> vector<16xi32>
    %sub3A_684 = arith.constant 1262485504 : i32
    %sub3A_685 = vector.broadcast %sub3A_684 : i32 to vector<16xi32>
    %sub3A_686 = arith.subi %bitcast_convert_type3A_683, %sub3A_685 : vector<16xi32>
    %gather3A_687 = tpu.vector_load_idx %arg5[%sub3A_686] : memref<1001xf32, #tpu.memory_space<vmem>>[vector<16xi32>], vector<16xf32>,
    %swap3A_688 = arith.constant 720 : index
    %swap3A_689 = tpu.vector_load %arg7[%swap3A_688] {strides = array<i32>} : memref<1024xf32, #tpu.memory_space<vmem>>, vector<16xf32>,
    tpu.vector_store %arg7[%swap3A_688], %gather3A_687 {strides = array<i32>} : memref<1024xf32, #tpu.memory_space<vmem>>, vector<16xf32>,
    %get3A_690 = arith.constant 736 : index
    %get3A_691 = tpu.vector_load %arg6[%get3A_690] {strides = array<i32>} : memref<1024xf32, #tpu.memory_space<vmem>>, vector<16xf32>,
    %mul3A_692 = arith.constant 1.000000e+03 : f32
    %mul3A_693 = vector.broadcast %mul3A_692 : f32 to vector<16xf32>
    %mul3A_694 = arith.mulf %get3A_691, %mul3A_693 : vector<16xf32>
    %add3A_695 = arith.constant 0x4B400000 : f32
    %add3A_696 = vector.broadcast %add3A_695 : f32 to vector<16xf32>
    %add3A_697 = arith.addf %mul3A_694, %add3A_696 : vector<16xf32>
    %bitcast_convert_type3A_698 = tpu.bitcast %add3A_697 : vector<16xf32> -> vector<16xi32>
    %sub3A_699 = arith.constant 1262485504 : i32
    %sub3A_700 = vector.broadcast %sub3A_699 : i32 to vector<16xi32>
    %sub3A_701 = arith.subi %bitcast_convert_type3A_698, %sub3A_700 : vector<16xi32>
    %gather3A_702 = tpu.vector_load_idx %arg5[%sub3A_701] : memref<1001xf32, #tpu.memory_space<vmem>>[vector<16xi32>], vector<16xf32>,
    %swap3A_703 = arith.constant 736 : index
    %swap3A_704 = tpu.vector_load %arg7[%swap3A_703] {strides = array<i32>} : memref<1024xf32, #tpu.memory_space<vmem>>, vector<16xf32>,
    tpu.vector_store %arg7[%swap3A_703], %gather3A_702 {strides = array<i32>} : memref<1024xf32, #tpu.memory_space<vmem>>, vector<16xf32>,
    %get3A_705 = arith.constant 752 : index
    %get3A_706 = tpu.vector_load %arg6[%get3A_705] {strides = array<i32>} : memref<1024xf32, #tpu.memory_space<vmem>>, vector<16xf32>,
    %mul3A_707 = arith.constant 1.000000e+03 : f32
    %mul3A_708 = vector.broadcast %mul3A_707 : f32 to vector<16xf32>
    %mul3A_709 = arith.mulf %get3A_706, %mul3A_708 : vector<16xf32>
    %add3A_710 = arith.constant 0x4B400000 : f32
    %add3A_711 = vector.broadcast %add3A_710 : f32 to vector<16xf32>
    %add3A_712 = arith.addf %mul3A_709, %add3A_711 : vector<16xf32>
    %bitcast_convert_type3A_713 = tpu.bitcast %add3A_712 : vector<16xf32> -> vector<16xi32>
    %sub3A_714 = arith.constant 1262485504 : i32
    %sub3A_715 = vector.broadcast %sub3A_714 : i32 to vector<16xi32>
    %sub3A_716 = arith.subi %bitcast_convert_type3A_713, %sub3A_715 : vector<16xi32>
    %gather3A_717 = tpu.vector_load_idx %arg5[%sub3A_716] : memref<1001xf32, #tpu.memory_space<vmem>>[vector<16xi32>], vector<16xf32>,
    %swap3A_718 = arith.constant 752 : index
    %swap3A_719 = tpu.vector_load %arg7[%swap3A_718] {strides = array<i32>} : memref<1024xf32, #tpu.memory_space<vmem>>, vector<16xf32>,
    tpu.vector_store %arg7[%swap3A_718], %gather3A_717 {strides = array<i32>} : memref<1024xf32, #tpu.memory_space<vmem>>, vector<16xf32>,
    %get3A_720 = arith.constant 768 : index
    %get3A_721 = tpu.vector_load %arg6[%get3A_720] {strides = array<i32>} : memref<1024xf32, #tpu.memory_space<vmem>>, vector<16xf32>,
    %mul3A_722 = arith.constant 1.000000e+03 : f32
    %mul3A_723 = vector.broadcast %mul3A_722 : f32 to vector<16xf32>
    %mul3A_724 = arith.mulf %get3A_721, %mul3A_723 : vector<16xf32>
    %add3A_725 = arith.constant 0x4B400000 : f32
    %add3A_726 = vector.broadcast %add3A_725 : f32 to vector<16xf32>
    %add3A_727 = arith.addf %mul3A_724, %add3A_726 : vector<16xf32>
    %bitcast_convert_type3A_728 = tpu.bitcast %add3A_727 : vector<16xf32> -> vector<16xi32>
    %sub3A_729 = arith.constant 1262485504 : i32
    %sub3A_730 = vector.broadcast %sub3A_729 : i32 to vector<16xi32>
    %sub3A_731 = arith.subi %bitcast_convert_type3A_728, %sub3A_730 : vector<16xi32>
    %gather3A_732 = tpu.vector_load_idx %arg5[%sub3A_731] : memref<1001xf32, #tpu.memory_space<vmem>>[vector<16xi32>], vector<16xf32>,
    %swap3A_733 = arith.constant 768 : index
    %swap3A_734 = tpu.vector_load %arg7[%swap3A_733] {strides = array<i32>} : memref<1024xf32, #tpu.memory_space<vmem>>, vector<16xf32>,
    tpu.vector_store %arg7[%swap3A_733], %gather3A_732 {strides = array<i32>} : memref<1024xf32, #tpu.memory_space<vmem>>, vector<16xf32>,
    %get3A_735 = arith.constant 784 : index
    %get3A_736 = tpu.vector_load %arg6[%get3A_735] {strides = array<i32>} : memref<1024xf32, #tpu.memory_space<vmem>>, vector<16xf32>,
    %mul3A_737 = arith.constant 1.000000e+03 : f32
    %mul3A_738 = vector.broadcast %mul3A_737 : f32 to vector<16xf32>
    %mul3A_739 = arith.mulf %get3A_736, %mul3A_738 : vector<16xf32>
    %add3A_740 = arith.constant 0x4B400000 : f32
    %add3A_741 = vector.broadcast %add3A_740 : f32 to vector<16xf32>
    %add3A_742 = arith.addf %mul3A_739, %add3A_741 : vector<16xf32>
    %bitcast_convert_type3A_743 = tpu.bitcast %add3A_742 : vector<16xf32> -> vector<16xi32>
    %sub3A_744 = arith.constant 1262485504 : i32
    %sub3A_745 = vector.broadcast %sub3A_744 : i32 to vector<16xi32>
    %sub3A_746 = arith.subi %bitcast_convert_type3A_743, %sub3A_745 : vector<16xi32>
    %gather3A_747 = tpu.vector_load_idx %arg5[%sub3A_746] : memref<1001xf32, #tpu.memory_space<vmem>>[vector<16xi32>], vector<16xf32>,
    %swap3A_748 = arith.constant 784 : index
    %swap3A_749 = tpu.vector_load %arg7[%swap3A_748] {strides = array<i32>} : memref<1024xf32, #tpu.memory_space<vmem>>, vector<16xf32>,
    tpu.vector_store %arg7[%swap3A_748], %gather3A_747 {strides = array<i32>} : memref<1024xf32, #tpu.memory_space<vmem>>, vector<16xf32>,
    %get3A_750 = arith.constant 800 : index
    %get3A_751 = tpu.vector_load %arg6[%get3A_750] {strides = array<i32>} : memref<1024xf32, #tpu.memory_space<vmem>>, vector<16xf32>,
    %mul3A_752 = arith.constant 1.000000e+03 : f32
    %mul3A_753 = vector.broadcast %mul3A_752 : f32 to vector<16xf32>
    %mul3A_754 = arith.mulf %get3A_751, %mul3A_753 : vector<16xf32>
    %add3A_755 = arith.constant 0x4B400000 : f32
    %add3A_756 = vector.broadcast %add3A_755 : f32 to vector<16xf32>
    %add3A_757 = arith.addf %mul3A_754, %add3A_756 : vector<16xf32>
    %bitcast_convert_type3A_758 = tpu.bitcast %add3A_757 : vector<16xf32> -> vector<16xi32>
    %sub3A_759 = arith.constant 1262485504 : i32
    %sub3A_760 = vector.broadcast %sub3A_759 : i32 to vector<16xi32>
    %sub3A_761 = arith.subi %bitcast_convert_type3A_758, %sub3A_760 : vector<16xi32>
    %gather3A_762 = tpu.vector_load_idx %arg5[%sub3A_761] : memref<1001xf32, #tpu.memory_space<vmem>>[vector<16xi32>], vector<16xf32>,
    %swap3A_763 = arith.constant 800 : index
    %swap3A_764 = tpu.vector_load %arg7[%swap3A_763] {strides = array<i32>} : memref<1024xf32, #tpu.memory_space<vmem>>, vector<16xf32>,
    tpu.vector_store %arg7[%swap3A_763], %gather3A_762 {strides = array<i32>} : memref<1024xf32, #tpu.memory_space<vmem>>, vector<16xf32>,
    %get3A_765 = arith.constant 816 : index
    %get3A_766 = tpu.vector_load %arg6[%get3A_765] {strides = array<i32>} : memref<1024xf32, #tpu.memory_space<vmem>>, vector<16xf32>,
    %mul3A_767 = arith.constant 1.000000e+03 : f32
    %mul3A_768 = vector.broadcast %mul3A_767 : f32 to vector<16xf32>
    %mul3A_769 = arith.mulf %get3A_766, %mul3A_768 : vector<16xf32>
    %add3A_770 = arith.constant 0x4B400000 : f32
    %add3A_771 = vector.broadcast %add3A_770 : f32 to vector<16xf32>
    %add3A_772 = arith.addf %mul3A_769, %add3A_771 : vector<16xf32>
    %bitcast_convert_type3A_773 = tpu.bitcast %add3A_772 : vector<16xf32> -> vector<16xi32>
    %sub3A_774 = arith.constant 1262485504 : i32
    %sub3A_775 = vector.broadcast %sub3A_774 : i32 to vector<16xi32>
    %sub3A_776 = arith.subi %bitcast_convert_type3A_773, %sub3A_775 : vector<16xi32>
    %gather3A_777 = tpu.vector_load_idx %arg5[%sub3A_776] : memref<1001xf32, #tpu.memory_space<vmem>>[vector<16xi32>], vector<16xf32>,
    %swap3A_778 = arith.constant 816 : index
    %swap3A_779 = tpu.vector_load %arg7[%swap3A_778] {strides = array<i32>} : memref<1024xf32, #tpu.memory_space<vmem>>, vector<16xf32>,
    tpu.vector_store %arg7[%swap3A_778], %gather3A_777 {strides = array<i32>} : memref<1024xf32, #tpu.memory_space<vmem>>, vector<16xf32>,
    %get3A_780 = arith.constant 832 : index
    %get3A_781 = tpu.vector_load %arg6[%get3A_780] {strides = array<i32>} : memref<1024xf32, #tpu.memory_space<vmem>>, vector<16xf32>,
    %mul3A_782 = arith.constant 1.000000e+03 : f32
    %mul3A_783 = vector.broadcast %mul3A_782 : f32 to vector<16xf32>
    %mul3A_784 = arith.mulf %get3A_781, %mul3A_783 : vector<16xf32>
    %add3A_785 = arith.constant 0x4B400000 : f32
    %add3A_786 = vector.broadcast %add3A_785 : f32 to vector<16xf32>
    %add3A_787 = arith.addf %mul3A_784, %add3A_786 : vector<16xf32>
    %bitcast_convert_type3A_788 = tpu.bitcast %add3A_787 : vector<16xf32> -> vector<16xi32>
    %sub3A_789 = arith.constant 1262485504 : i32
    %sub3A_790 = vector.broadcast %sub3A_789 : i32 to vector<16xi32>
    %sub3A_791 = arith.subi %bitcast_convert_type3A_788, %sub3A_790 : vector<16xi32>
    %gather3A_792 = tpu.vector_load_idx %arg5[%sub3A_791] : memref<1001xf32, #tpu.memory_space<vmem>>[vector<16xi32>], vector<16xf32>,
    %swap3A_793 = arith.constant 832 : index
    %swap3A_794 = tpu.vector_load %arg7[%swap3A_793] {strides = array<i32>} : memref<1024xf32, #tpu.memory_space<vmem>>, vector<16xf32>,
    tpu.vector_store %arg7[%swap3A_793], %gather3A_792 {strides = array<i32>} : memref<1024xf32, #tpu.memory_space<vmem>>, vector<16xf32>,
    %get3A_795 = arith.constant 848 : index
    %get3A_796 = tpu.vector_load %arg6[%get3A_795] {strides = array<i32>} : memref<1024xf32, #tpu.memory_space<vmem>>, vector<16xf32>,
    %mul3A_797 = arith.constant 1.000000e+03 : f32
    %mul3A_798 = vector.broadcast %mul3A_797 : f32 to vector<16xf32>
    %mul3A_799 = arith.mulf %get3A_796, %mul3A_798 : vector<16xf32>
    %add3A_800 = arith.constant 0x4B400000 : f32
    %add3A_801 = vector.broadcast %add3A_800 : f32 to vector<16xf32>
    %add3A_802 = arith.addf %mul3A_799, %add3A_801 : vector<16xf32>
    %bitcast_convert_type3A_803 = tpu.bitcast %add3A_802 : vector<16xf32> -> vector<16xi32>
    %sub3A_804 = arith.constant 1262485504 : i32
    %sub3A_805 = vector.broadcast %sub3A_804 : i32 to vector<16xi32>
    %sub3A_806 = arith.subi %bitcast_convert_type3A_803, %sub3A_805 : vector<16xi32>
    %gather3A_807 = tpu.vector_load_idx %arg5[%sub3A_806] : memref<1001xf32, #tpu.memory_space<vmem>>[vector<16xi32>], vector<16xf32>,
    %swap3A_808 = arith.constant 848 : index
    %swap3A_809 = tpu.vector_load %arg7[%swap3A_808] {strides = array<i32>} : memref<1024xf32, #tpu.memory_space<vmem>>, vector<16xf32>,
    tpu.vector_store %arg7[%swap3A_808], %gather3A_807 {strides = array<i32>} : memref<1024xf32, #tpu.memory_space<vmem>>, vector<16xf32>,
    %get3A_810 = arith.constant 864 : index
    %get3A_811 = tpu.vector_load %arg6[%get3A_810] {strides = array<i32>} : memref<1024xf32, #tpu.memory_space<vmem>>, vector<16xf32>,
    %mul3A_812 = arith.constant 1.000000e+03 : f32
    %mul3A_813 = vector.broadcast %mul3A_812 : f32 to vector<16xf32>
    %mul3A_814 = arith.mulf %get3A_811, %mul3A_813 : vector<16xf32>
    %add3A_815 = arith.constant 0x4B400000 : f32
    %add3A_816 = vector.broadcast %add3A_815 : f32 to vector<16xf32>
    %add3A_817 = arith.addf %mul3A_814, %add3A_816 : vector<16xf32>
    %bitcast_convert_type3A_818 = tpu.bitcast %add3A_817 : vector<16xf32> -> vector<16xi32>
    %sub3A_819 = arith.constant 1262485504 : i32
    %sub3A_820 = vector.broadcast %sub3A_819 : i32 to vector<16xi32>
    %sub3A_821 = arith.subi %bitcast_convert_type3A_818, %sub3A_820 : vector<16xi32>
    %gather3A_822 = tpu.vector_load_idx %arg5[%sub3A_821] : memref<1001xf32, #tpu.memory_space<vmem>>[vector<16xi32>], vector<16xf32>,
    %swap3A_823 = arith.constant 864 : index
    %swap3A_824 = tpu.vector_load %arg7[%swap3A_823] {strides = array<i32>} : memref<1024xf32, #tpu.memory_space<vmem>>, vector<16xf32>,
    tpu.vector_store %arg7[%swap3A_823], %gather3A_822 {strides = array<i32>} : memref<1024xf32, #tpu.memory_space<vmem>>, vector<16xf32>,
    %get3A_825 = arith.constant 880 : index
    %get3A_826 = tpu.vector_load %arg6[%get3A_825] {strides = array<i32>} : memref<1024xf32, #tpu.memory_space<vmem>>, vector<16xf32>,
    %mul3A_827 = arith.constant 1.000000e+03 : f32
    %mul3A_828 = vector.broadcast %mul3A_827 : f32 to vector<16xf32>
    %mul3A_829 = arith.mulf %get3A_826, %mul3A_828 : vector<16xf32>
    %add3A_830 = arith.constant 0x4B400000 : f32
    %add3A_831 = vector.broadcast %add3A_830 : f32 to vector<16xf32>
    %add3A_832 = arith.addf %mul3A_829, %add3A_831 : vector<16xf32>
    %bitcast_convert_type3A_833 = tpu.bitcast %add3A_832 : vector<16xf32> -> vector<16xi32>
    %sub3A_834 = arith.constant 1262485504 : i32
    %sub3A_835 = vector.broadcast %sub3A_834 : i32 to vector<16xi32>
    %sub3A_836 = arith.subi %bitcast_convert_type3A_833, %sub3A_835 : vector<16xi32>
    %gather3A_837 = tpu.vector_load_idx %arg5[%sub3A_836] : memref<1001xf32, #tpu.memory_space<vmem>>[vector<16xi32>], vector<16xf32>,
    %swap3A_838 = arith.constant 880 : index
    %swap3A_839 = tpu.vector_load %arg7[%swap3A_838] {strides = array<i32>} : memref<1024xf32, #tpu.memory_space<vmem>>, vector<16xf32>,
    tpu.vector_store %arg7[%swap3A_838], %gather3A_837 {strides = array<i32>} : memref<1024xf32, #tpu.memory_space<vmem>>, vector<16xf32>,
    %get3A_840 = arith.constant 896 : index
    %get3A_841 = tpu.vector_load %arg6[%get3A_840] {strides = array<i32>} : memref<1024xf32, #tpu.memory_space<vmem>>, vector<16xf32>,
    %mul3A_842 = arith.constant 1.000000e+03 : f32
    %mul3A_843 = vector.broadcast %mul3A_842 : f32 to vector<16xf32>
    %mul3A_844 = arith.mulf %get3A_841, %mul3A_843 : vector<16xf32>
    %add3A_845 = arith.constant 0x4B400000 : f32
    %add3A_846 = vector.broadcast %add3A_845 : f32 to vector<16xf32>
    %add3A_847 = arith.addf %mul3A_844, %add3A_846 : vector<16xf32>
    %bitcast_convert_type3A_848 = tpu.bitcast %add3A_847 : vector<16xf32> -> vector<16xi32>
    %sub3A_849 = arith.constant 1262485504 : i32
    %sub3A_850 = vector.broadcast %sub3A_849 : i32 to vector<16xi32>
    %sub3A_851 = arith.subi %bitcast_convert_type3A_848, %sub3A_850 : vector<16xi32>
    %gather3A_852 = tpu.vector_load_idx %arg5[%sub3A_851] : memref<1001xf32, #tpu.memory_space<vmem>>[vector<16xi32>], vector<16xf32>,
    %swap3A_853 = arith.constant 896 : index
    %swap3A_854 = tpu.vector_load %arg7[%swap3A_853] {strides = array<i32>} : memref<1024xf32, #tpu.memory_space<vmem>>, vector<16xf32>,
    tpu.vector_store %arg7[%swap3A_853], %gather3A_852 {strides = array<i32>} : memref<1024xf32, #tpu.memory_space<vmem>>, vector<16xf32>,
    %get3A_855 = arith.constant 912 : index
    %get3A_856 = tpu.vector_load %arg6[%get3A_855] {strides = array<i32>} : memref<1024xf32, #tpu.memory_space<vmem>>, vector<16xf32>,
    %mul3A_857 = arith.constant 1.000000e+03 : f32
    %mul3A_858 = vector.broadcast %mul3A_857 : f32 to vector<16xf32>
    %mul3A_859 = arith.mulf %get3A_856, %mul3A_858 : vector<16xf32>
    %add3A_860 = arith.constant 0x4B400000 : f32
    %add3A_861 = vector.broadcast %add3A_860 : f32 to vector<16xf32>
    %add3A_862 = arith.addf %mul3A_859, %add3A_861 : vector<16xf32>
    %bitcast_convert_type3A_863 = tpu.bitcast %add3A_862 : vector<16xf32> -> vector<16xi32>
    %sub3A_864 = arith.constant 1262485504 : i32
    %sub3A_865 = vector.broadcast %sub3A_864 : i32 to vector<16xi32>
    %sub3A_866 = arith.subi %bitcast_convert_type3A_863, %sub3A_865 : vector<16xi32>
    %gather3A_867 = tpu.vector_load_idx %arg5[%sub3A_866] : memref<1001xf32, #tpu.memory_space<vmem>>[vector<16xi32>], vector<16xf32>,
    %swap3A_868 = arith.constant 912 : index
    %swap3A_869 = tpu.vector_load %arg7[%swap3A_868] {strides = array<i32>} : memref<1024xf32, #tpu.memory_space<vmem>>, vector<16xf32>,
    tpu.vector_store %arg7[%swap3A_868], %gather3A_867 {strides = array<i32>} : memref<1024xf32, #tpu.memory_space<vmem>>, vector<16xf32>,
    %get3A_870 = arith.constant 928 : index
    %get3A_871 = tpu.vector_load %arg6[%get3A_870] {strides = array<i32>} : memref<1024xf32, #tpu.memory_space<vmem>>, vector<16xf32>,
    %mul3A_872 = arith.constant 1.000000e+03 : f32
    %mul3A_873 = vector.broadcast %mul3A_872 : f32 to vector<16xf32>
    %mul3A_874 = arith.mulf %get3A_871, %mul3A_873 : vector<16xf32>
    %add3A_875 = arith.constant 0x4B400000 : f32
    %add3A_876 = vector.broadcast %add3A_875 : f32 to vector<16xf32>
    %add3A_877 = arith.addf %mul3A_874, %add3A_876 : vector<16xf32>
    %bitcast_convert_type3A_878 = tpu.bitcast %add3A_877 : vector<16xf32> -> vector<16xi32>
    %sub3A_879 = arith.constant 1262485504 : i32
    %sub3A_880 = vector.broadcast %sub3A_879 : i32 to vector<16xi32>
    %sub3A_881 = arith.subi %bitcast_convert_type3A_878, %sub3A_880 : vector<16xi32>
    %gather3A_882 = tpu.vector_load_idx %arg5[%sub3A_881] : memref<1001xf32, #tpu.memory_space<vmem>>[vector<16xi32>], vector<16xf32>,
    %swap3A_883 = arith.constant 928 : index
    %swap3A_884 = tpu.vector_load %arg7[%swap3A_883] {strides = array<i32>} : memref<1024xf32, #tpu.memory_space<vmem>>, vector<16xf32>,
    tpu.vector_store %arg7[%swap3A_883], %gather3A_882 {strides = array<i32>} : memref<1024xf32, #tpu.memory_space<vmem>>, vector<16xf32>,
    %get3A_885 = arith.constant 944 : index
    %get3A_886 = tpu.vector_load %arg6[%get3A_885] {strides = array<i32>} : memref<1024xf32, #tpu.memory_space<vmem>>, vector<16xf32>,
    %mul3A_887 = arith.constant 1.000000e+03 : f32
    %mul3A_888 = vector.broadcast %mul3A_887 : f32 to vector<16xf32>
    %mul3A_889 = arith.mulf %get3A_886, %mul3A_888 : vector<16xf32>
    %add3A_890 = arith.constant 0x4B400000 : f32
    %add3A_891 = vector.broadcast %add3A_890 : f32 to vector<16xf32>
    %add3A_892 = arith.addf %mul3A_889, %add3A_891 : vector<16xf32>
    %bitcast_convert_type3A_893 = tpu.bitcast %add3A_892 : vector<16xf32> -> vector<16xi32>
    %sub3A_894 = arith.constant 1262485504 : i32
    %sub3A_895 = vector.broadcast %sub3A_894 : i32 to vector<16xi32>
    %sub3A_896 = arith.subi %bitcast_convert_type3A_893, %sub3A_895 : vector<16xi32>
    %gather3A_897 = tpu.vector_load_idx %arg5[%sub3A_896] : memref<1001xf32, #tpu.memory_space<vmem>>[vector<16xi32>], vector<16xf32>,
    %swap3A_898 = arith.constant 944 : index
    %swap3A_899 = tpu.vector_load %arg7[%swap3A_898] {strides = array<i32>} : memref<1024xf32, #tpu.memory_space<vmem>>, vector<16xf32>,
    tpu.vector_store %arg7[%swap3A_898], %gather3A_897 {strides = array<i32>} : memref<1024xf32, #tpu.memory_space<vmem>>, vector<16xf32>,
    %get3A_900 = arith.constant 960 : index
    %get3A_901 = tpu.vector_load %arg6[%get3A_900] {strides = array<i32>} : memref<1024xf32, #tpu.memory_space<vmem>>, vector<16xf32>,
    %mul3A_902 = arith.constant 1.000000e+03 : f32
    %mul3A_903 = vector.broadcast %mul3A_902 : f32 to vector<16xf32>
    %mul3A_904 = arith.mulf %get3A_901, %mul3A_903 : vector<16xf32>
    %add3A_905 = arith.constant 0x4B400000 : f32
    %add3A_906 = vector.broadcast %add3A_905 : f32 to vector<16xf32>
    %add3A_907 = arith.addf %mul3A_904, %add3A_906 : vector<16xf32>
    %bitcast_convert_type3A_908 = tpu.bitcast %add3A_907 : vector<16xf32> -> vector<16xi32>
    %sub3A_909 = arith.constant 1262485504 : i32
    %sub3A_910 = vector.broadcast %sub3A_909 : i32 to vector<16xi32>
    %sub3A_911 = arith.subi %bitcast_convert_type3A_908, %sub3A_910 : vector<16xi32>
    %gather3A_912 = tpu.vector_load_idx %arg5[%sub3A_911] : memref<1001xf32, #tpu.memory_space<vmem>>[vector<16xi32>], vector<16xf32>,
    %swap3A_913 = arith.constant 960 : index
    %swap3A_914 = tpu.vector_load %arg7[%swap3A_913] {strides = array<i32>} : memref<1024xf32, #tpu.memory_space<vmem>>, vector<16xf32>,
    tpu.vector_store %arg7[%swap3A_913], %gather3A_912 {strides = array<i32>} : memref<1024xf32, #tpu.memory_space<vmem>>, vector<16xf32>,
    %get3A_915 = arith.constant 976 : index
    %get3A_916 = tpu.vector_load %arg6[%get3A_915] {strides = array<i32>} : memref<1024xf32, #tpu.memory_space<vmem>>, vector<16xf32>,
    %mul3A_917 = arith.constant 1.000000e+03 : f32
    %mul3A_918 = vector.broadcast %mul3A_917 : f32 to vector<16xf32>
    %mul3A_919 = arith.mulf %get3A_916, %mul3A_918 : vector<16xf32>
    %add3A_920 = arith.constant 0x4B400000 : f32
    %add3A_921 = vector.broadcast %add3A_920 : f32 to vector<16xf32>
    %add3A_922 = arith.addf %mul3A_919, %add3A_921 : vector<16xf32>
    %bitcast_convert_type3A_923 = tpu.bitcast %add3A_922 : vector<16xf32> -> vector<16xi32>
    %sub3A_924 = arith.constant 1262485504 : i32
    %sub3A_925 = vector.broadcast %sub3A_924 : i32 to vector<16xi32>
    %sub3A_926 = arith.subi %bitcast_convert_type3A_923, %sub3A_925 : vector<16xi32>
    %gather3A_927 = tpu.vector_load_idx %arg5[%sub3A_926] : memref<1001xf32, #tpu.memory_space<vmem>>[vector<16xi32>], vector<16xf32>,
    %swap3A_928 = arith.constant 976 : index
    %swap3A_929 = tpu.vector_load %arg7[%swap3A_928] {strides = array<i32>} : memref<1024xf32, #tpu.memory_space<vmem>>, vector<16xf32>,
    tpu.vector_store %arg7[%swap3A_928], %gather3A_927 {strides = array<i32>} : memref<1024xf32, #tpu.memory_space<vmem>>, vector<16xf32>,
    %get3A_930 = arith.constant 992 : index
    %get3A_931 = tpu.vector_load %arg6[%get3A_930] {strides = array<i32>} : memref<1024xf32, #tpu.memory_space<vmem>>, vector<16xf32>,
    %mul3A_932 = arith.constant 1.000000e+03 : f32
    %mul3A_933 = vector.broadcast %mul3A_932 : f32 to vector<16xf32>
    %mul3A_934 = arith.mulf %get3A_931, %mul3A_933 : vector<16xf32>
    %add3A_935 = arith.constant 0x4B400000 : f32
    %add3A_936 = vector.broadcast %add3A_935 : f32 to vector<16xf32>
    %add3A_937 = arith.addf %mul3A_934, %add3A_936 : vector<16xf32>
    %bitcast_convert_type3A_938 = tpu.bitcast %add3A_937 : vector<16xf32> -> vector<16xi32>
    %sub3A_939 = arith.constant 1262485504 : i32
    %sub3A_940 = vector.broadcast %sub3A_939 : i32 to vector<16xi32>
    %sub3A_941 = arith.subi %bitcast_convert_type3A_938, %sub3A_940 : vector<16xi32>
    %gather3A_942 = tpu.vector_load_idx %arg5[%sub3A_941] : memref<1001xf32, #tpu.memory_space<vmem>>[vector<16xi32>], vector<16xf32>,
    %swap3A_943 = arith.constant 992 : index
    %swap3A_944 = tpu.vector_load %arg7[%swap3A_943] {strides = array<i32>} : memref<1024xf32, #tpu.memory_space<vmem>>, vector<16xf32>,
    tpu.vector_store %arg7[%swap3A_943], %gather3A_942 {strides = array<i32>} : memref<1024xf32, #tpu.memory_space<vmem>>, vector<16xf32>,
    %get3A_945 = arith.constant 1008 : index
    %get3A_946 = tpu.vector_load %arg6[%get3A_945] {strides = array<i32>} : memref<1024xf32, #tpu.memory_space<vmem>>, vector<16xf32>,
    %mul3A_947 = arith.constant 1.000000e+03 : f32
    %mul3A_948 = vector.broadcast %mul3A_947 : f32 to vector<16xf32>
    %mul3A_949 = arith.mulf %get3A_946, %mul3A_948 : vector<16xf32>
    %add3A_950 = arith.constant 0x4B400000 : f32
    %add3A_951 = vector.broadcast %add3A_950 : f32 to vector<16xf32>
    %add3A_952 = arith.addf %mul3A_949, %add3A_951 : vector<16xf32>
    %bitcast_convert_type3A_953 = tpu.bitcast %add3A_952 : vector<16xf32> -> vector<16xi32>
    %sub3A_954 = arith.constant 1262485504 : i32
    %sub3A_955 = vector.broadcast %sub3A_954 : i32 to vector<16xi32>
    %sub3A_956 = arith.subi %bitcast_convert_type3A_953, %sub3A_955 : vector<16xi32>
    %gather3A_957 = tpu.vector_load_idx %arg5[%sub3A_956] : memref<1001xf32, #tpu.memory_space<vmem>>[vector<16xi32>], vector<16xf32>,
    %swap3A_958 = arith.constant 1008 : index
    %swap3A_959 = tpu.vector_load %arg7[%swap3A_958] {strides = array<i32>} : memref<1024xf32, #tpu.memory_space<vmem>>, vector<16xf32>,
    tpu.vector_store %arg7[%swap3A_958], %gather3A_957 {strides = array<i32>} : memref<1024xf32, #tpu.memory_space<vmem>>, vector<16xf32>,
    "tpu.region"() ({
      %run_scoped3A = tpu.sem_alloc : memref<!tpu.dma_semaphore, #tpu.memory_space<semaphore_mem>>
      %dma_start3A_960 = tpu.memref_slice %arg4[%mul3A_2] : memref<16384xf32, #tpu.memory_space<hbm>> -> memref<1024xf32, #tpu.memory_space<hbm>>
      %dma_start3A_961 = tpu.memref_slice %arg4[%mul3A_2] : memref<16384xf32, #tpu.memory_space<hbm>> -> memref<1024xf32, #tpu.memory_space<hbm>>
      tpu.enqueue_dma source(%arg7 : memref<1024xf32, #tpu.memory_space<vmem>>) target(%dma_start3A_961 : memref<1024xf32, #tpu.memory_space<hbm>>) target_semaphore(%run_scoped3A : memref<!tpu.dma_semaphore, #tpu.memory_space<semaphore_mem>>)
      %dma_wait3A_962 = tpu.memref_slice %arg4[%mul3A_2] : memref<16384xf32, #tpu.memory_space<hbm>> -> memref<1024xf32, #tpu.memory_space<hbm>>
      %dma_wait3A_963 = tpu.memref_slice %arg4[%mul3A_2] : memref<16384xf32, #tpu.memory_space<hbm>> -> memref<1024xf32, #tpu.memory_space<hbm>>
      tpu.wait_dma2 semaphore(%run_scoped3A : memref<!tpu.dma_semaphore, #tpu.memory_space<semaphore_mem>>) src(%arg7 : memref<1024xf32, #tpu.memory_space<vmem>>) dst(%dma_wait3A_963 : memref<1024xf32, #tpu.memory_space<hbm>>)
      tpu.yield
    }) : () -> ()
    return
  }
}

</mosaic_0001>

<sc_bundles>
// kernel: kernel.3.cloned.1.call-start
scs
__scs_entry_jumppad:
0x0: {  	(pc) =	sbr.rel $0x88, $3  }
0x1: {  	(tag) =	ssettag $0x0;
	lr =	simm.s32 $0x1  }
0x2: {  	[smem:$0x3F9F] =	sst lr;
	_ =	strace $0xD0000000  }
0x3: {  	_ = 	snop  }
0x4: {  	_ = 	snop  }
0x5: {  	_ = 	snop  }
0x6: {  	_ = 	snop  }
0x7: {  	_ = 	snop  }
__scs_overlays_trampoline_lowered:
0x8: {  	[smem:$0x3FAE] =	sst s0  }
0x9: {  	[smem:$0x3FAF] =	sst s1  }
0xa: {  	[smem:$0x3FB0] =	sst s2  }
0xb: {  	[smem:$0x3FB1] =	sst s3  }
0xc: {  	[smem:$0x3FB2] =	sst s4  }
0xd: {  	[smem:$0x3FB3] =	sst s5  }
0xe: {  	[smem:$0x3FB4] =	sst s6  }
0xf: {  	[smem:$0x3FB5] =	sst s7  }
0x10: {  	[smem:$0x3FB6] =	sst s8  }
0x11: {  	[smem:$0x3FB7] =	sst s9;
	s0 =	simm.s32 @!p0 $0x0  }
0x12: {  	s1 =	sld [smem:$0x3F9D];
	s0 =	simm.s32 @p0 $0x1  }
0x13: {  	[smem:$0x3FB8] =	sst s0;
	s0 =	simm.s32 @!p1 $0x0  }
0x14: {  	s2 =	sld [smem:$0x3F9C];
	s0 =	simm.s32 @p1 $0x1  }
0x15: {  	[smem:$0x3FB9] =	sst s0;
	s0 =	simm.s32 @!p2 $0x0  }
0x16: {  	s3 =	sld [smem:$0x3FDB];
	s0 =	simm.s32 @p2 $0x1  }
0x17: {  	s4 =	simm.s32 $0x1BF5;
	[smem:$0x3FBB] =	sst s0  }
0x18: {  	s0 =	sld [smem:$0x3F9E];
	_ =	swait.ge [sflag:s4], $0x0  }
0x19: {  	s7 =	sld [smem:$0x3F9F]  }
0x1a: {  	s8 =	sadd.s32 $0xFFFFE003, lr  }
0x1b: {  	s9 =	sadd.s32 $0xFFFFFEF7, lr;
	s5 =	simm.s32 $0xFFFFFFFF;
	p2 =	slt.u32 s8, $0xFFFFF086  }
0x1c: {  	p1 =	slt.u32 s9, $0xF7A;
	s5 =	simm.s32 @!p2 $0x0  }
0x1d: {  	s5 =	simm.s32 @p1 $0x1;
	p0 =	seq.s32 s7, s2  }
0x1e: {  	s7 =	smul.u32 @!p0 $0xF7A, s2;
	p2 =	seq.s32 @!p0 s5, $0x0  }
0x1f: {  	s9 =	smul.u32 $0xF7A, s1;
	s8 =	simm.s32 @!p0 $0x1BF5;
	p2 =	por !p2, p0  }
0x20: {  	[sflag:s8] =	ssyncset.s32 @!p0 $0xFFFFF086;
	s6 =	sadd.s32 @!p0 s3, s7;
	s7 =	simm.s32 @!p0 $0x108  }
0x21: {  	s3 =	sadd.s32 s3, s9;
	s6 =	sadd.s32 @!p0 $0x88, s6;
	s7 =	simm.s32 @p2 $0x1082  }
0x22: {  	[simem:s7], [sflag:s8] =	dma.local @!p0 [hbm:s6], $0xF7A  }
0x23: {  	s9 =	sor.u32 $0xD0000000, s2;
	s6 =	simm.s32 $0x108;
	_ =	swait.ge @!p0 [sflag:s8], $0x0  }
0x24: {  	s3 =	sadd.s32 $0x88, s3;
	s6 =	simm.s32 @!p1 $0x1082;
	[sflag:s4] =	ssyncset.s32 $0xFFFFF086  }
0x25: {  	[simem:s6], [sflag:s4] =	dma.local [hbm:s3], $0xF7A  }
0x26: {  	[smem:$0x3F9F] =	sst s1;
	(tag) =	ssettag s2;
	_ =	strace s9  }
0x27: {  	s1 =	sld [smem:$0x3FAF]  }
0x28: {  	s2 =	sld [smem:$0x3FB0]  }
0x29: {  	s4 =	sld [smem:$0x3FB2]  }
0x2a: {  	p0 =	seq.s32 s5, $0x0;
	s5 =	sld [smem:$0x3FB3]  }
0x2b: {  	s6 =	sld [smem:$0x3FB4]  }
0x2c: {  	s7 =	sld [smem:$0x3FB5]  }
0x2d: {  	s3 =	simm.s32 $0x108;
	s8 =	sld [smem:$0x3FB6]  }
0x2e: {  	s3 =	simm.s32 @!p0 $0x1082;
	s9 =	sld [smem:$0x3FB7]  }
0x2f: {  	lr =	sadd.s32 s0, s3;
	s0 =	sld [smem:$0x3FAE]  }
0x30: {  	s3 =	sld [smem:$0x3FB1]  }
0x31: {  	[smem:$0x3FBA] =	sst s10  }
0x32: {  	s10 =	sld [smem:$0x3FB8];
	_ =	sdelay $0x3  }
0x33: {  	p0 =	seq.s32 s10, $0x1;
	s10 =	sld [smem:$0x3FBA];
	_ =	sdelay $0x3  }
0x34: {  	[smem:$0x3FBA] =	sst s10  }
0x35: {  	s10 =	sld [smem:$0x3FB9];
	_ =	sdelay $0x3  }
0x36: {  	p1 =	seq.s32 s10, $0x1;
	s10 =	sld [smem:$0x3FBA];
	_ =	sdelay $0x3  }
0x37: {  	[smem:$0x3FBA] =	sst s10  }
0x38: {  	s10 =	sld [smem:$0x3FBB]  }
0x39: {  	_ = 	snop;
	(pc) =	sbr.ind lr, $3  }
0x3a: {  	_ = 	snop  }
0x3b: {  	_ = 	snop  }
0x3c: {  	p2 =	seq.s32 s10, $0x1;
	s10 =	sld [smem:$0x3FBA]  }
0x3d: {  	_ =	shalt  }
0x3e: {  	_ =	shalt  }
0x3f: {  	_ =	shalt  }
0x40: {  	_ =	shalt  }
0x41: {  	_ =	shalt  }
0x42: {  	_ =	shalt  }
0x43: {  	_ =	shalt  }
0x44: {  	_ =	shalt  }
0x45: {  	_ =	shalt  }
0x46: {  	_ =	shalt  }
0x47: {  	_ =	shalt  }
0x48: {  	_ =	shalt  }
0x49: {  	_ =	shalt  }
0x4a: {  	_ =	shalt  }
0x4b: {  	_ =	shalt  }
0x4c: {  	_ =	shalt  }
0x4d: {  	_ =	shalt  }
0x4e: {  	_ =	shalt  }
0x4f: {  	_ =	shalt  }
0x50: {  	_ =	shalt  }
0x51: {  	_ =	shalt  }
0x52: {  	_ =	shalt  }
0x53: {  	_ =	shalt  }
0x54: {  	_ =	shalt  }
0x55: {  	_ =	shalt  }
0x56: {  	_ =	shalt  }
0x57: {  	_ =	shalt  }
0x58: {  	_ =	shalt  }
0x59: {  	_ =	shalt  }
0x5a: {  	_ =	shalt  }
0x5b: {  	_ =	shalt  }
0x5c: {  	_ =	shalt  }
0x5d: {  	_ =	shalt  }
0x5e: {  	_ =	shalt  }
0x5f: {  	_ =	shalt  }
0x60: {  	_ =	shalt  }
0x61: {  	_ =	shalt  }
0x62: {  	_ =	shalt  }
0x63: {  	_ =	shalt  }
0x64: {  	_ =	shalt  }
0x65: {  	_ =	shalt  }
0x66: {  	_ =	shalt  }
0x67: {  	_ =	shalt  }
0x68: {  	_ =	shalt  }
0x69: {  	_ =	shalt  }
0x6a: {  	_ =	shalt  }
0x6b: {  	_ =	shalt  }
0x6c: {  	_ =	shalt  }
0x6d: {  	_ =	shalt  }
0x6e: {  	_ =	shalt  }
0x6f: {  	_ =	shalt  }
0x70: {  	_ =	shalt  }
0x71: {  	_ =	shalt  }
0x72: {  	_ =	shalt  }
0x73: {  	_ =	shalt  }
0x74: {  	_ =	shalt  }
0x75: {  	_ =	shalt  }
0x76: {  	_ =	shalt  }
0x77: {  	_ =	shalt  }
0x78: {  	_ =	shalt  }
0x79: {  	_ =	shalt  }
0x7a: {  	_ =	shalt  }
0x7b: {  	_ =	shalt  }
0x7c: {  	_ =	shalt  }
0x7d: {  	_ =	shalt  }
0x7e: {  	_ =	shalt  }
0x7f: {  	_ =	shalt  }
0x80: {  	_ =	shalt  }
0x81: {  	_ =	shalt  }
0x82: {  	_ =	shalt  }
0x83: {  	_ =	shalt  }
0x84: {  	_ =	shalt  }
0x85: {  	_ =	shalt  }
0x86: {  	_ =	shalt  }
0x87: {  	_ =	shalt  }
.Lfunc_end0:
.L_simem_size_0:
called_computation_lowered:
.L_overlay_start_0:
0x88: {  	s0 =	sld [smem:$0x3FD9]  }
0x89: {  	s1 =	sld [smem:$0x3FFE];
	_ =	sdelay $0x3  }
0x8a: {  	s0 =	sadd.s32 s1, s0  }
0x8b: {  	[smem:$0x3FC6] =	sst s0  }
0x8c: {  	_ = 	snop  }
0x8d: {  	s0 =	sld [smem:$0x3FC9]  }
0x8e: {  	s17 =	sld [smem:$0x3FC8]  }
0x8f: {  	s2 =	sld [smem:$0x3FD0];
	(tm) =	ssettm $0x1  }
0x90: {  	s3 =	sld [smem:$0x3FFB];
	_ =	sdelay $0x3  }
0x91: {  	_ =	strace s3  }
0x92: {  	s3 =	sld [smem:$0x3FFC];
	_ =	sdelay $0x3  }
0x93: {  	_ =	strace s3  }
0x94: {  	s3 =	sld [smem:$0x3FFD];
	_ =	sdelay $0x3  }
0x95: {  	_ =	strace s3  }
0x96: {  	_ =	strace $0x8FFFFFFF  }
0x97: {  	s18 =	sld [smem:$0x3FDB];
	_ =	sdelay $0x1  }
0x98: {  	s4 =	simm.s32 $_scs_section_size  }
0x99: {  	s5 =	simm.s32 $_size__tile_overlayer_lowered;
	s6 =	simm.s32 $_tile_overlayer_lowered  }
0x9a: {  	s21 =	simm.s32 $0x1BFF;
	s20 =	sshll.u32 s6, $0x1;
	s3 =	sadd.s32 s4, s18  }
0x9b: {  	s7 =	simm.s32 $0x0;
	s19 =	sshll.u32 s5, $0x1;
	s5 =	sadd.s32 s20, s3  }
0x9c: {  	[timem:s7], [sflag:s21] =	dma.local [hbm:s5], s19  }
0x9d: {  	_ =	swait.ge [sflag:s21], s19  }
0x9e: {  	s4 =	ssub.s32 $0x0, s19;
	[sflag:s21] =	ssyncset.done $0x0  }
0x9f: {  	[sflag:s21] =	ssyncadd.s32 s4;
	_ =	sdelay $0x1  }
0xa0: {  	s22 =	simm.s32 $0x1B8B  }
0xa1: {  	_ =	swait.ge [sflag:s22], $0x1  }
0xa2: {  	[sflag:s22] =	ssyncset.done $0x0  }
0xa3: {  	s23 =	simm.s32 $0x1B8E;
	[sflag:s22] =	ssyncadd.s32 $0xFFFFFFFF  }
0xa4: {  	s24 =	simm.s32 $execute0_lowered;
	[smem:$0x3FD2] =	sst s23  }
0xa5: {  	s4 =	sshll.u32 s24, $0x1;
	_ =	strace $0x80000046;
	[dreg:$0x1] =	wrdreg $0xFFFFFFFF  }
0xa6: {  	s25 =	simm.s32 $_size_execute0_lowered;
	s3 =	sadd.s32 s3, s4;
	[dreg:$0x0] =	wrdreg $0x0  }
0xa7: {  	s4 =	sshll.u32 s25, $0x1;
	[dreg:$0x2] =	wrdreg s3  }
0xa8: {  	[dreg:$0x3] =	wrdreg s4  }
0xa9: {  	[dreg:$0x4] =	wrdreg $0xC0  }
0xaa: {  	_ =	task [dreg:s7], $0x5FFFF  }
0xab: {  	[dreg:$0x1] =	wrdreg $0xFFFFFFFF  }
0xac: {  	[dreg:$0x0] =	wrdreg $0x60  }
0xad: {  	[dreg:$0x2] =	wrdreg s0  }
0xae: {  	[dreg:$0x3] =	wrdreg s17  }
0xaf: {  	[dreg:$0x4] =	wrdreg s2  }
0xb0: {  	[dreg:$0x5] =	wrdreg $0x9  }
0xb1: {  	_ =	task.clear_ibuf [dreg:s7], $0x6FFFF;
	_ =	strace $0x90000046  }
0xb2: {  	s26 =	simm.s32 $0x9;
	_ =	strace $0x80000048  }
0xb3: {  	_ =	swait.ge [sflag:s26], $0x1  }
0xb4: {  	[sflag:s26] =	ssyncadd.s32 $0xFFFFFFFF  }
0xb5: {  	_ =	strace $0x90000048  }
0xb6: {  	_ =	sfence  }
0xb7: {  	s28 =	sld [smem:$0x0];
	_ =	sdelay $0x1  }
0xb8: {  	s29 =	srdreg.scid  }
0xb9: {  	s30 =	sshll.u32 s29, $0xD;
	s31 =	sshrl.u32 s29, $0x2  }
0xba: {  	s1 =	sand.u32 $0x1, s29;
	s2 =	sand.u32 $0x4000, s30;
	s0 =	sadd.s32 s31, s28  }
0xbb: {  	s1 =	sor.u32 s2, s1;
	s0 =	sshll.u32 s0, $0x11  }
0xbc: {  	s0 =	sor.u32 s0, s1  }
0xbd: {  	s0 =	sadd.s32 $0x8F2B, s0  }
0xbe: {  	[sflag:s0] =	ssyncadd.remote.s32 $0x1  }
0xbf: {  	_ =	sfence.sel $0xFFFF  }
0xc0: {  	[dreg:$0x0] =	wrdreg $0xFFFFFFFF;
	(pc) =	sbr.abs _section_cstart, $3  }
0xc1: {  	[dreg:$0x1] =	wrdreg $0xFFFFFFFF  }
0xc2: {  	_ =	task.clear_ibuf [dreg:s7], $0x2FFFF;
	_ =	strace $0x9FFFFFFF  }
0xc3: {  	(tm) =	ssettm $0x7FFFFFFF  }
tec
execute0_lowered:
.L_overlay_start_1:
0x0: {  	(tag) =	ssettag $0x1  }
0x1: {  	s5 =	rddreg [dreg:$0x0]  }
0x2: {  	s6 =	rddreg [dreg:$0x1]  }
0x3: {  	s3 =	rddreg [dreg:$0x2];
	s2 =	simm.s32 $0x0  }
0x4: {  	s1 =	stileid.u32;
	[smem:$0x7FF] =	sst s2  }
0x5: {  	s0 =	rddreg [dreg:$0x3];
	s4 =	sshll.u32 s1, $0x7;
	_ =	strace $0x80000047  }
0x6: {  	[tilespmem:s2], [sflag:$0x1] =	stream.linear.gather [hbm4b:s6+s2], $0x400, $0x38;
	[tilespmem:$0xC00] =	vst v63  }
0x7: {  	s26 =	simm.s32 $0x400;
	s28 =	simm.s32 $0x1;
	s5 =	sadd.s32 s5, s4  }
0x8: {  	[tilespmem:s26], [sflag:$0x2] =	stream.linear.gather [hbm4b:s5+s2], $0x400, $0x38;
	[tilespmem:$0xC00] =	vst v63  }
0x9: {  	_ =	swait.ge [sflag:s28], $0x400  }
0xa: {  	[sflag:s28] =	ssyncset.done $0x0  }
0xb: {  	s29 =	simm.s32 $0x2;
	[sflag:s28] =	ssyncadd.s32 $0xFFFFFC00  }
0xc: {  	_ =	swait.ge [sflag:s29], $0x400  }
0xd: {  	[sflag:s29] =	ssyncset.done $0x0  }
0xe: {  	[sflag:s29] =	ssyncadd.s32 $0xFFFFFC00  }
0xf: {  	v0 =	vld [tilespmem:$0x400];
	_ =	sdelay $0x4  }
0x10: {  	v0 =	vmul.f32 $1.000000000e+03, v0  }
0x11: {  	v1 =	vld [tilespmem:$0x410]  }
0x12: {  	v0 =	vadd.f32 $1.258291200e+07, v0;
	_ =	sdelay $0x1  }
0x13: {  	v0 =	vadd.s32 $0xB4C00000, v0;
	_ =	sdelay $0x1  }
0x14: {  	v1 =	vmul.f32 $1.000000000e+03, v1  }
0x15: {  	v2 =	vld [tilespmem:$0x420]  }
0x16: {  	v1 =	vadd.f32 $1.258291200e+07, v1  }
0x17: {  	v0 =	vld.idx.msk [tilespmem:v0+s2+$0x0], $0xffff  }
0x18: {  	v1 =	vadd.s32 $0xB4C00000, v1;
	_ =	sdelay $0x1  }
0x19: {  	v2 =	vmul.f32 $1.000000000e+03, v2  }
0x1a: {  	v3 =	vld [tilespmem:$0x430]  }
0x1b: {  	v56 =	vadd.f32 $1.258291200e+07, v2;
	[tilespmem:$0x800] =	vst v0  }
0x1c: {  	v1 =	vld.idx.msk [tilespmem:v1+s2+$0x0], $0xffff  }
0x1d: {  	v0 =	vadd.s32 $0xB4C00000, v56;
	_ =	sdelay $0x1  }
0x1e: {  	v57 =	vmul.f32 $1.000000000e+03, v3  }
0x1f: {  	v58 =	vld [tilespmem:$0x440]  }
0x20: {  	v59 =	vadd.f32 $1.258291200e+07, v57;
	[tilespmem:$0x810] =	vst v1  }
0x21: {  	v0 =	vld.idx.msk [tilespmem:v0+s2+$0x0], $0xffff  }
0x22: {  	v1 =	vadd.s32 $0xB4C00000, v59;
	_ =	sdelay $0x1  }
0x23: {  	v60 =	vmul.f32 $1.000000000e+03, v58  }
0x24: {  	v61 =	vld [tilespmem:$0x450]  }
0x25: {  	v62 =	vadd.f32 $1.258291200e+07, v60;
	[tilespmem:$0x820] =	vst v0  }
0x26: {  	v1 =	vld.idx.msk [tilespmem:v1+s2+$0x0], $0xffff  }
0x27: {  	v0 =	vadd.s32 $0xB4C00000, v62;
	_ =	sdelay $0x1  }
0x28: {  	v63 =	vmul.f32 $1.000000000e+03, v61  }
0x29: {  	v6 =	vld [tilespmem:$0x460]  }
0x2a: {  	v7 =	vadd.f32 $1.258291200e+07, v63;
	[tilespmem:$0x830] =	vst v1  }
0x2b: {  	v0 =	vld.idx.msk [tilespmem:v0+s2+$0x0], $0xffff  }
0x2c: {  	v1 =	vadd.s32 $0xB4C00000, v7;
	_ =	sdelay $0x1  }
0x2d: {  	v8 =	vmul.f32 $1.000000000e+03, v6  }
0x2e: {  	v9 =	vld [tilespmem:$0x470]  }
0x2f: {  	v10 =	vadd.f32 $1.258291200e+07, v8;
	[tilespmem:$0x840] =	vst v0  }
0x30: {  	v1 =	vld.idx.msk [tilespmem:v1+s2+$0x0], $0xffff  }
0x31: {  	v0 =	vadd.s32 $0xB4C00000, v10;
	_ =	sdelay $0x1  }
0x32: {  	v11 =	vmul.f32 $1.000000000e+03, v9  }
0x33: {  	v12 =	vld [tilespmem:$0x480]  }
0x34: {  	v13 =	vadd.f32 $1.258291200e+07, v11;
	[tilespmem:$0x850] =	vst v1  }
0x35: {  	v0 =	vld.idx.msk [tilespmem:v0+s2+$0x0], $0xffff  }
0x36: {  	v1 =	vadd.s32 $0xB4C00000, v13;
	_ =	sdelay $0x1  }
0x37: {  	v14 =	vmul.f32 $1.000000000e+03, v12  }
0x38: {  	v15 =	vld [tilespmem:$0x490]  }
0x39: {  	v16 =	vadd.f32 $1.258291200e+07, v14;
	[tilespmem:$0x860] =	vst v0  }
0x3a: {  	v1 =	vld.idx.msk [tilespmem:v1+s2+$0x0], $0xffff  }
0x3b: {  	v0 =	vadd.s32 $0xB4C00000, v16;
	_ =	sdelay $0x1  }
0x3c: {  	v17 =	vmul.f32 $1.000000000e+03, v15  }
0x3d: {  	v18 =	vld [tilespmem:$0x4A0]  }
0x3e: {  	v19 =	vadd.f32 $1.258291200e+07, v17;
	[tilespmem:$0x870] =	vst v1  }
0x3f: {  	v0 =	vld.idx.msk [tilespmem:v0+s2+$0x0], $0xffff  }
0x40: {  	v1 =	vadd.s32 $0xB4C00000, v19;
	_ =	sdelay $0x1  }
0x41: {  	v20 =	vmul.f32 $1.000000000e+03, v18  }
0x42: {  	v21 =	vld [tilespmem:$0x4B0]  }
0x43: {  	v22 =	vadd.f32 $1.258291200e+07, v20;
	[tilespmem:$0x880] =	vst v0  }
0x44: {  	v1 =	vld.idx.msk [tilespmem:v1+s2+$0x0], $0xffff  }
0x45: {  	v0 =	vadd.s32 $0xB4C00000, v22;
	_ =	sdelay $0x1  }
0x46: {  	v23 =	vmul.f32 $1.000000000e+03, v21  }
0x47: {  	v24 =	vld [tilespmem:$0x4C0]  }
0x48: {  	v25 =	vadd.f32 $1.258291200e+07, v23;
	[tilespmem:$0x890] =	vst v1  }
0x49: {  	v0 =	vld.idx.msk [tilespmem:v0+s2+$0x0], $0xffff  }
0x4a: {  	v1 =	vadd.s32 $0xB4C00000, v25;
	_ =	sdelay $0x1  }
0x4b: {  	v26 =	vmul.f32 $1.000000000e+03, v24  }
0x4c: {  	v27 =	vld [tilespmem:$0x4D0]  }
0x4d: {  	v28 =	vadd.f32 $1.258291200e+07, v26;
	[tilespmem:$0x8A0] =	vst v0  }
0x4e: {  	v1 =	vld.idx.msk [tilespmem:v1+s2+$0x0], $0xffff  }
0x4f: {  	v0 =	vadd.s32 $0xB4C00000, v28;
	_ =	sdelay $0x1  }
0x50: {  	v29 =	vmul.f32 $1.000000000e+03, v27  }
0x51: {  	v30 =	vld [tilespmem:$0x4E0]  }
0x52: {  	v31 =	vadd.f32 $1.258291200e+07, v29;
	[tilespmem:$0x8B0] =	vst v1  }
0x53: {  	v0 =	vld.idx.msk [tilespmem:v0+s2+$0x0], $0xffff  }
0x54: {  	v1 =	vadd.s32 $0xB4C00000, v31;
	_ =	sdelay $0x1  }
0x55: {  	v32 =	vmul.f32 $1.000000000e+03, v30  }
0x56: {  	v33 =	vld [tilespmem:$0x4F0]  }
0x57: {  	v34 =	vadd.f32 $1.258291200e+07, v32;
	[tilespmem:$0x8C0] =	vst v0  }
0x58: {  	v1 =	vld.idx.msk [tilespmem:v1+s2+$0x0], $0xffff  }
0x59: {  	v0 =	vadd.s32 $0xB4C00000, v34;
	_ =	sdelay $0x1  }
0x5a: {  	v35 =	vmul.f32 $1.000000000e+03, v33  }
0x5b: {  	v36 =	vld [tilespmem:$0x500]  }
0x5c: {  	v37 =	vadd.f32 $1.258291200e+07, v35;
	[tilespmem:$0x8D0] =	vst v1  }
0x5d: {  	v0 =	vld.idx.msk [tilespmem:v0+s2+$0x0], $0xffff  }
0x5e: {  	v1 =	vadd.s32 $0xB4C00000, v37;
	_ =	sdelay $0x1  }
0x5f: {  	v38 =	vmul.f32 $1.000000000e+03, v36  }
0x60: {  	v39 =	vld [tilespmem:$0x510]  }
0x61: {  	v40 =	vadd.f32 $1.258291200e+07, v38;
	[tilespmem:$0x8E0] =	vst v0  }
0x62: {  	v1 =	vld.idx.msk [tilespmem:v1+s2+$0x0], $0xffff  }
0x63: {  	v0 =	vadd.s32 $0xB4C00000, v40;
	_ =	sdelay $0x1  }
0x64: {  	v41 =	vmul.f32 $1.000000000e+03, v39  }
0x65: {  	v42 =	vld [tilespmem:$0x520]  }
0x66: {  	v43 =	vadd.f32 $1.258291200e+07, v41;
	[tilespmem:$0x8F0] =	vst v1  }
0x67: {  	v0 =	vld.idx.msk [tilespmem:v0+s2+$0x0], $0xffff  }
0x68: {  	v1 =	vadd.s32 $0xB4C00000, v43;
	_ =	sdelay $0x1  }
0x69: {  	v44 =	vmul.f32 $1.000000000e+03, v42  }
0x6a: {  	v45 =	vld [tilespmem:$0x530]  }
0x6b: {  	v46 =	vadd.f32 $1.258291200e+07, v44;
	[tilespmem:$0x900] =	vst v0  }
0x6c: {  	v1 =	vld.idx.msk [tilespmem:v1+s2+$0x0], $0xffff  }
0x6d: {  	v0 =	vadd.s32 $0xB4C00000, v46;
	_ =	sdelay $0x1  }
0x6e: {  	v47 =	vmul.f32 $1.000000000e+03, v45  }
0x6f: {  	v48 =	vld [tilespmem:$0x540]  }
0x70: {  	v49 =	vadd.f32 $1.258291200e+07, v47;
	[tilespmem:$0x910] =	vst v1  }
0x71: {  	v0 =	vld.idx.msk [tilespmem:v0+s2+$0x0], $0xffff  }
0x72: {  	v1 =	vadd.s32 $0xB4C00000, v49;
	_ =	sdelay $0x1  }
0x73: {  	v50 =	vmul.f32 $1.000000000e+03, v48  }
0x74: {  	v51 =	vld [tilespmem:$0x550]  }
0x75: {  	v52 =	vadd.f32 $1.258291200e+07, v50;
	[tilespmem:$0x920] =	vst v0  }
0x76: {  	v1 =	vld.idx.msk [tilespmem:v1+s2+$0x0], $0xffff  }
0x77: {  	v0 =	vadd.s32 $0xB4C00000, v52;
	_ =	sdelay $0x1  }
0x78: {  	v53 =	vmul.f32 $1.000000000e+03, v51  }
0x79: {  	v54 =	vld [tilespmem:$0x560]  }
0x7a: {  	v55 =	vadd.f32 $1.258291200e+07, v53;
	[tilespmem:$0x930] =	vst v1  }
0x7b: {  	v0 =	vld.idx.msk [tilespmem:v0+s2+$0x0], $0xffff  }
0x7c: {  	v1 =	vadd.s32 $0xB4C00000, v55;
	_ =	sdelay $0x1  }
0x7d: {  	v56 =	vmul.f32 $1.000000000e+03, v54  }
0x7e: {  	v57 =	vld [tilespmem:$0x570]  }
0x7f: {  	v58 =	vadd.f32 $1.258291200e+07, v56;
	[tilespmem:$0x940] =	vst v0  }
0x80: {  	v1 =	vld.idx.msk [tilespmem:v1+s2+$0x0], $0xffff  }
0x81: {  	v0 =	vadd.s32 $0xB4C00000, v58;
	_ =	sdelay $0x1  }
0x82: {  	v59 =	vmul.f32 $1.000000000e+03, v57  }
0x83: {  	v60 =	vld [tilespmem:$0x580]  }
0x84: {  	v61 =	vadd.f32 $1.258291200e+07, v59;
	[tilespmem:$0x950] =	vst v1  }
0x85: {  	v0 =	vld.idx.msk [tilespmem:v0+s2+$0x0], $0xffff  }
0x86: {  	v1 =	vadd.s32 $0xB4C00000, v61;
	_ =	sdelay $0x1  }
0x87: {  	v62 =	vmul.f32 $1.000000000e+03, v60  }
0x88: {  	v63 =	vld [tilespmem:$0x590]  }
0x89: {  	v5 =	vadd.f32 $1.258291200e+07, v62;
	[tilespmem:$0x960] =	vst v0  }
0x8a: {  	v1 =	vld.idx.msk [tilespmem:v1+s2+$0x0], $0xffff  }
0x8b: {  	v0 =	vadd.s32 $0xB4C00000, v5;
	_ =	sdelay $0x1  }
0x8c: {  	v6 =	vmul.f32 $1.000000000e+03, v63  }
0x8d: {  	v7 =	vld [tilespmem:$0x5A0]  }
0x8e: {  	v8 =	vadd.f32 $1.258291200e+07, v6;
	[tilespmem:$0x970] =	vst v1  }
0x8f: {  	v0 =	vld.idx.msk [tilespmem:v0+s2+$0x0], $0xffff  }
0x90: {  	v1 =	vadd.s32 $0xB4C00000, v8;
	_ =	sdelay $0x1  }
0x91: {  	v9 =	vmul.f32 $1.000000000e+03, v7  }
0x92: {  	v10 =	vld [tilespmem:$0x5B0]  }
0x93: {  	v11 =	vadd.f32 $1.258291200e+07, v9;
	[tilespmem:$0x980] =	vst v0  }
0x94: {  	v1 =	vld.idx.msk [tilespmem:v1+s2+$0x0], $0xffff  }
0x95: {  	v0 =	vadd.s32 $0xB4C00000, v11;
	_ =	sdelay $0x1  }
0x96: {  	v12 =	vmul.f32 $1.000000000e+03, v10  }
0x97: {  	v13 =	vld [tilespmem:$0x5C0]  }
0x98: {  	v14 =	vadd.f32 $1.258291200e+07, v12;
	[tilespmem:$0x990] =	vst v1  }
0x99: {  	v0 =	vld.idx.msk [tilespmem:v0+s2+$0x0], $0xffff  }
0x9a: {  	v1 =	vadd.s32 $0xB4C00000, v14;
	_ =	sdelay $0x1  }
0x9b: {  	v15 =	vmul.f32 $1.000000000e+03, v13  }
0x9c: {  	v16 =	vld [tilespmem:$0x5D0]  }
0x9d: {  	v17 =	vadd.f32 $1.258291200e+07, v15;
	[tilespmem:$0x9A0] =	vst v0  }
0x9e: {  	v1 =	vld.idx.msk [tilespmem:v1+s2+$0x0], $0xffff  }
0x9f: {  	v0 =	vadd.s32 $0xB4C00000, v17;
	_ =	sdelay $0x1  }
0xa0: {  	v18 =	vmul.f32 $1.000000000e+03, v16  }
0xa1: {  	v19 =	vld [tilespmem:$0x5E0]  }
0xa2: {  	v20 =	vadd.f32 $1.258291200e+07, v18;
	[tilespmem:$0x9B0] =	vst v1  }
0xa3: {  	v0 =	vld.idx.msk [tilespmem:v0+s2+$0x0], $0xffff  }
0xa4: {  	v1 =	vadd.s32 $0xB4C00000, v20;
	_ =	sdelay $0x1  }
0xa5: {  	v21 =	vmul.f32 $1.000000000e+03, v19  }
0xa6: {  	v22 =	vld [tilespmem:$0x5F0]  }
0xa7: {  	v23 =	vadd.f32 $1.258291200e+07, v21;
	[tilespmem:$0x9C0] =	vst v0  }
0xa8: {  	v1 =	vld.idx.msk [tilespmem:v1+s2+$0x0], $0xffff  }
0xa9: {  	v0 =	vadd.s32 $0xB4C00000, v23;
	_ =	sdelay $0x1  }
0xaa: {  	v24 =	vmul.f32 $1.000000000e+03, v22  }
0xab: {  	v25 =	vld [tilespmem:$0x600]  }
0xac: {  	v26 =	vadd.f32 $1.258291200e+07, v24;
	[tilespmem:$0x9D0] =	vst v1  }
0xad: {  	v0 =	vld.idx.msk [tilespmem:v0+s2+$0x0], $0xffff  }
0xae: {  	v1 =	vadd.s32 $0xB4C00000, v26;
	_ =	sdelay $0x1  }
0xaf: {  	v27 =	vmul.f32 $1.000000000e+03, v25  }
0xb0: {  	v28 =	vld [tilespmem:$0x610]  }
0xb1: {  	v29 =	vadd.f32 $1.258291200e+07, v27;
	[tilespmem:$0x9E0] =	vst v0  }
0xb2: {  	v1 =	vld.idx.msk [tilespmem:v1+s2+$0x0], $0xffff  }
0xb3: {  	v0 =	vadd.s32 $0xB4C00000, v29;
	_ =	sdelay $0x1  }
0xb4: {  	v30 =	vmul.f32 $1.000000000e+03, v28  }
0xb5: {  	v31 =	vld [tilespmem:$0x620]  }
0xb6: {  	v32 =	vadd.f32 $1.258291200e+07, v30;
	[tilespmem:$0x9F0] =	vst v1  }
0xb7: {  	v0 =	vld.idx.msk [tilespmem:v0+s2+$0x0], $0xffff  }
0xb8: {  	v1 =	vadd.s32 $0xB4C00000, v32;
	_ =	sdelay $0x1  }
0xb9: {  	v33 =	vmul.f32 $1.000000000e+03, v31  }
0xba: {  	v34 =	vld [tilespmem:$0x630]  }
0xbb: {  	v35 =	vadd.f32 $1.258291200e+07, v33;
	[tilespmem:$0xA00] =	vst v0  }
0xbc: {  	v1 =	vld.idx.msk [tilespmem:v1+s2+$0x0], $0xffff  }
0xbd: {  	v0 =	vadd.s32 $0xB4C00000, v35;
	_ =	sdelay $0x1  }
0xbe: {  	v36 =	vmul.f32 $1.000000000e+03, v34  }
0xbf: {  	v37 =	vld [tilespmem:$0x640]  }
0xc0: {  	v38 =	vadd.f32 $1.258291200e+07, v36;
	[tilespmem:$0xA10] =	vst v1  }
0xc1: {  	v0 =	vld.idx.msk [tilespmem:v0+s2+$0x0], $0xffff  }
0xc2: {  	v1 =	vadd.s32 $0xB4C00000, v38;
	_ =	sdelay $0x1  }
0xc3: {  	v39 =	vmul.f32 $1.000000000e+03, v37  }
0xc4: {  	v40 =	vld [tilespmem:$0x650]  }
0xc5: {  	v41 =	vadd.f32 $1.258291200e+07, v39;
	[tilespmem:$0xA20] =	vst v0  }
0xc6: {  	v1 =	vld.idx.msk [tilespmem:v1+s2+$0x0], $0xffff  }
0xc7: {  	v0 =	vadd.s32 $0xB4C00000, v41;
	_ =	sdelay $0x1  }
0xc8: {  	v42 =	vmul.f32 $1.000000000e+03, v40  }
0xc9: {  	v43 =	vld [tilespmem:$0x660]  }
0xca: {  	v44 =	vadd.f32 $1.258291200e+07, v42;
	[tilespmem:$0xA30] =	vst v1  }
0xcb: {  	v0 =	vld.idx.msk [tilespmem:v0+s2+$0x0], $0xffff  }
0xcc: {  	v1 =	vadd.s32 $0xB4C00000, v44;
	_ =	sdelay $0x1  }
0xcd: {  	v45 =	vmul.f32 $1.000000000e+03, v43  }
0xce: {  	v46 =	vld [tilespmem:$0x670]  }
0xcf: {  	v47 =	vadd.f32 $1.258291200e+07, v45;
	[tilespmem:$0xA40] =	vst v0  }
0xd0: {  	v1 =	vld.idx.msk [tilespmem:v1+s2+$0x0], $0xffff  }
0xd1: {  	v0 =	vadd.s32 $0xB4C00000, v47;
	_ =	sdelay $0x1  }
0xd2: {  	v48 =	vmul.f32 $1.000000000e+03, v46  }
0xd3: {  	v49 =	vld [tilespmem:$0x680]  }
0xd4: {  	v50 =	vadd.f32 $1.258291200e+07, v48;
	[tilespmem:$0xA50] =	vst v1  }
0xd5: {  	v0 =	vld.idx.msk [tilespmem:v0+s2+$0x0], $0xffff  }
0xd6: {  	v1 =	vadd.s32 $0xB4C00000, v50;
	_ =	sdelay $0x1  }
0xd7: {  	v51 =	vmul.f32 $1.000000000e+03, v49  }
0xd8: {  	v52 =	vld [tilespmem:$0x690]  }
0xd9: {  	v53 =	vadd.f32 $1.258291200e+07, v51;
	[tilespmem:$0xA60] =	vst v0  }
0xda: {  	v1 =	vld.idx.msk [tilespmem:v1+s2+$0x0], $0xffff  }
0xdb: {  	v0 =	vadd.s32 $0xB4C00000, v53;
	_ =	sdelay $0x1  }
0xdc: {  	v54 =	vmul.f32 $1.000000000e+03, v52  }
0xdd: {  	v55 =	vld [tilespmem:$0x6A0]  }
0xde: {  	v56 =	vadd.f32 $1.258291200e+07, v54;
	[tilespmem:$0xA70] =	vst v1  }
0xdf: {  	v0 =	vld.idx.msk [tilespmem:v0+s2+$0x0], $0xffff  }
0xe0: {  	v1 =	vadd.s32 $0xB4C00000, v56;
	_ =	sdelay $0x1  }
0xe1: {  	v57 =	vmul.f32 $1.000000000e+03, v55  }
0xe2: {  	v58 =	vld [tilespmem:$0x6B0]  }
0xe3: {  	v59 =	vadd.f32 $1.258291200e+07, v57;
	[tilespmem:$0xA80] =	vst v0  }
0xe4: {  	v1 =	vld.idx.msk [tilespmem:v1+s2+$0x0], $0xffff  }
0xe5: {  	v0 =	vadd.s32 $0xB4C00000, v59;
	_ =	sdelay $0x1  }
0xe6: {  	v60 =	vmul.f32 $1.000000000e+03, v58  }
0xe7: {  	v61 =	vld [tilespmem:$0x6C0]  }
0xe8: {  	v62 =	vadd.f32 $1.258291200e+07, v60;
	[tilespmem:$0xA90] =	vst v1  }
0xe9: {  	v0 =	vld.idx.msk [tilespmem:v0+s2+$0x0], $0xffff  }
0xea: {  	v1 =	vadd.s32 $0xB4C00000, v62;
	_ =	sdelay $0x1  }
0xeb: {  	v63 =	vmul.f32 $1.000000000e+03, v61  }
0xec: {  	v6 =	vld [tilespmem:$0x6D0]  }
0xed: {  	v7 =	vadd.f32 $1.258291200e+07, v63;
	[tilespmem:$0xAA0] =	vst v0  }
0xee: {  	v1 =	vld.idx.msk [tilespmem:v1+s2+$0x0], $0xffff  }
0xef: {  	v0 =	vadd.s32 $0xB4C00000, v7;
	_ =	sdelay $0x1  }
0xf0: {  	v8 =	vmul.f32 $1.000000000e+03, v6  }
0xf1: {  	v9 =	vld [tilespmem:$0x6E0]  }
0xf2: {  	v10 =	vadd.f32 $1.258291200e+07, v8;
	[tilespmem:$0xAB0] =	vst v1  }
0xf3: {  	v0 =	vld.idx.msk [tilespmem:v0+s2+$0x0], $0xffff  }
0xf4: {  	v1 =	vadd.s32 $0xB4C00000, v10;
	_ =	sdelay $0x1  }
0xf5: {  	v11 =	vmul.f32 $1.000000000e+03, v9  }
0xf6: {  	v12 =	vld [tilespmem:$0x6F0]  }
0xf7: {  	v13 =	vadd.f32 $1.258291200e+07, v11;
	[tilespmem:$0xAC0] =	vst v0  }
0xf8: {  	v1 =	vld.idx.msk [tilespmem:v1+s2+$0x0], $0xffff  }
0xf9: {  	v0 =	vadd.s32 $0xB4C00000, v13;
	_ =	sdelay $0x1  }
0xfa: {  	v14 =	vmul.f32 $1.000000000e+03, v12  }
0xfb: {  	v15 =	vld [tilespmem:$0x700]  }
0xfc: {  	v16 =	vadd.f32 $1.258291200e+07, v14;
	[tilespmem:$0xAD0] =	vst v1  }
0xfd: {  	v0 =	vld.idx.msk [tilespmem:v0+s2+$0x0], $0xffff  }
0xfe: {  	v1 =	vadd.s32 $0xB4C00000, v16;
	_ =	sdelay $0x1  }
0xff: {  	v17 =	vmul.f32 $1.000000000e+03, v15  }
0x100: {  	v18 =	vld [tilespmem:$0x710]  }
0x101: {  	v19 =	vadd.f32 $1.258291200e+07, v17;
	[tilespmem:$0xAE0] =	vst v0  }
0x102: {  	v1 =	vld.idx.msk [tilespmem:v1+s2+$0x0], $0xffff  }
0x103: {  	v0 =	vadd.s32 $0xB4C00000, v19;
	_ =	sdelay $0x1  }
0x104: {  	v20 =	vmul.f32 $1.000000000e+03, v18  }
0x105: {  	v21 =	vld [tilespmem:$0x720]  }
0x106: {  	v22 =	vadd.f32 $1.258291200e+07, v20;
	[tilespmem:$0xAF0] =	vst v1  }
0x107: {  	v0 =	vld.idx.msk [tilespmem:v0+s2+$0x0], $0xffff  }
0x108: {  	v1 =	vadd.s32 $0xB4C00000, v22;
	_ =	sdelay $0x1  }
0x109: {  	v23 =	vmul.f32 $1.000000000e+03, v21  }
0x10a: {  	v24 =	vld [tilespmem:$0x730]  }
0x10b: {  	v25 =	vadd.f32 $1.258291200e+07, v23;
	[tilespmem:$0xB00] =	vst v0  }
0x10c: {  	v1 =	vld.idx.msk [tilespmem:v1+s2+$0x0], $0xffff  }
0x10d: {  	v0 =	vadd.s32 $0xB4C00000, v25;
	_ =	sdelay $0x1  }
0x10e: {  	v26 =	vmul.f32 $1.000000000e+03, v24  }
0x10f: {  	v27 =	vld [tilespmem:$0x740]  }
0x110: {  	v28 =	vadd.f32 $1.258291200e+07, v26;
	[tilespmem:$0xB10] =	vst v1  }
0x111: {  	v0 =	vld.idx.msk [tilespmem:v0+s2+$0x0], $0xffff  }
0x112: {  	v1 =	vadd.s32 $0xB4C00000, v28;
	_ =	sdelay $0x1  }
0x113: {  	v29 =	vmul.f32 $1.000000000e+03, v27  }
0x114: {  	v30 =	vld [tilespmem:$0x750]  }
0x115: {  	v31 =	vadd.f32 $1.258291200e+07, v29;
	[tilespmem:$0xB20] =	vst v0  }
0x116: {  	v1 =	vld.idx.msk [tilespmem:v1+s2+$0x0], $0xffff  }
0x117: {  	v0 =	vadd.s32 $0xB4C00000, v31;
	_ =	sdelay $0x1  }
0x118: {  	v32 =	vmul.f32 $1.000000000e+03, v30  }
0x119: {  	v33 =	vld [tilespmem:$0x760]  }
0x11a: {  	v34 =	vadd.f32 $1.258291200e+07, v32;
	[tilespmem:$0xB30] =	vst v1  }
0x11b: {  	v0 =	vld.idx.msk [tilespmem:v0+s2+$0x0], $0xffff  }
0x11c: {  	v1 =	vadd.s32 $0xB4C00000, v34;
	_ =	sdelay $0x1  }
0x11d: {  	v35 =	vmul.f32 $1.000000000e+03, v33  }
0x11e: {  	v36 =	vld [tilespmem:$0x770]  }
0x11f: {  	v37 =	vadd.f32 $1.258291200e+07, v35;
	[tilespmem:$0xB40] =	vst v0  }
0x120: {  	v1 =	vld.idx.msk [tilespmem:v1+s2+$0x0], $0xffff  }
0x121: {  	v0 =	vadd.s32 $0xB4C00000, v37;
	_ =	sdelay $0x1  }
0x122: {  	v38 =	vmul.f32 $1.000000000e+03, v36  }
0x123: {  	v39 =	vld [tilespmem:$0x780]  }
0x124: {  	v40 =	vadd.f32 $1.258291200e+07, v38;
	[tilespmem:$0xB50] =	vst v1  }
0x125: {  	v0 =	vld.idx.msk [tilespmem:v0+s2+$0x0], $0xffff  }
0x126: {  	v1 =	vadd.s32 $0xB4C00000, v40;
	_ =	sdelay $0x1  }
0x127: {  	v41 =	vmul.f32 $1.000000000e+03, v39  }
0x128: {  	v42 =	vld [tilespmem:$0x790]  }
0x129: {  	v43 =	vadd.f32 $1.258291200e+07, v41;
	[tilespmem:$0xB60] =	vst v0  }
0x12a: {  	v1 =	vld.idx.msk [tilespmem:v1+s2+$0x0], $0xffff  }
0x12b: {  	v0 =	vadd.s32 $0xB4C00000, v43;
	_ =	sdelay $0x1  }
0x12c: {  	v44 =	vmul.f32 $1.000000000e+03, v42  }
0x12d: {  	v45 =	vld [tilespmem:$0x7A0]  }
0x12e: {  	v46 =	vadd.f32 $1.258291200e+07, v44;
	[tilespmem:$0xB70] =	vst v1  }
0x12f: {  	v0 =	vld.idx.msk [tilespmem:v0+s2+$0x0], $0xffff  }
0x130: {  	v1 =	vadd.s32 $0xB4C00000, v46;
	_ =	sdelay $0x1  }
0x131: {  	v47 =	vmul.f32 $1.000000000e+03, v45  }
0x132: {  	v48 =	vld [tilespmem:$0x7B0]  }
0x133: {  	v49 =	vadd.f32 $1.258291200e+07, v47;
	[tilespmem:$0xB80] =	vst v0  }
0x134: {  	v1 =	vld.idx.msk [tilespmem:v1+s2+$0x0], $0xffff  }
0x135: {  	v0 =	vadd.s32 $0xB4C00000, v49;
	_ =	sdelay $0x1  }
0x136: {  	v50 =	vmul.f32 $1.000000000e+03, v48  }
0x137: {  	v51 =	vld [tilespmem:$0x7C0]  }
0x138: {  	v52 =	vadd.f32 $1.258291200e+07, v50;
	[tilespmem:$0xB90] =	vst v1  }
0x139: {  	v0 =	vld.idx.msk [tilespmem:v0+s2+$0x0], $0xffff  }
0x13a: {  	v1 =	vadd.s32 $0xB4C00000, v52;
	_ =	sdelay $0x1  }
0x13b: {  	v53 =	vmul.f32 $1.000000000e+03, v51  }
0x13c: {  	v54 =	vld [tilespmem:$0x7D0]  }
0x13d: {  	v55 =	vadd.f32 $1.258291200e+07, v53;
	[tilespmem:$0xBA0] =	vst v0  }
0x13e: {  	v1 =	vld.idx.msk [tilespmem:v1+s2+$0x0], $0xffff  }
0x13f: {  	v0 =	vadd.s32 $0xB4C00000, v55;
	_ =	sdelay $0x1  }
0x140: {  	v56 =	vmul.f32 $1.000000000e+03, v54  }
0x141: {  	v57 =	vld [tilespmem:$0x7E0]  }
0x142: {  	v58 =	vadd.f32 $1.258291200e+07, v56;
	[tilespmem:$0xBB0] =	vst v1  }
0x143: {  	v0 =	vld.idx.msk [tilespmem:v0+s2+$0x0], $0xffff  }
0x144: {  	v1 =	vadd.s32 $0xB4C00000, v58;
	_ =	sdelay $0x1  }
0x145: {  	v59 =	vmul.f32 $1.000000000e+03, v57  }
0x146: {  	v60 =	vld [tilespmem:$0x7F0]  }
0x147: {  	v61 =	vadd.f32 $1.258291200e+07, v59;
	[tilespmem:$0xBC0] =	vst v0  }
0x148: {  	v1 =	vld.idx.msk [tilespmem:v1+s2+$0x0], $0xffff  }
0x149: {  	v0 =	vadd.s32 $0xB4C00000, v61;
	_ =	sdelay $0x1  }
0x14a: {  	v62 =	vmul.f32 $1.000000000e+03, v60;
	_ =	sdelay $0x1  }
0x14b: {  	v63 =	vadd.f32 $1.258291200e+07, v62;
	[tilespmem:$0xBD0] =	vst v1  }
0x14c: {  	v0 =	vld.idx.msk [tilespmem:v0+s2+$0x0], $0xffff  }
0x14d: {  	v1 =	vadd.s32 $0xB4C00000, v63;
	_ =	sdelay $0x3  }
0x14e: {  	[tilespmem:$0xBE0] =	vst v0  }
0x14f: {  	v0 =	vld.idx.msk [tilespmem:v1+s2+$0x0], $0xffff;
	_ =	sdelay $0x4  }
0x150: {  	s30 =	simm.s32 $0x800;
	s31 =	simm.s32 $0x3;
	s3 =	sadd.s32 s3, s4;
	[tilespmem:$0xBF0] =	vst v0  }
0x151: {  	[hbm4b:s3+s2] =	stream.linear.scatter [tilespmem:s30], [sflag:$0x3], $0x400, $0x38;
	[tilespmem:$0xC00] =	vst v63  }
0x152: {  	_ =	swait.ge [sflag:s31], $0x400  }
0x153: {  	[sflag:s31] =	ssyncset.done $0x0  }
0x154: {  	[sflag:s31] =	ssyncadd.s32 $0xFFFFFC00  }
0x155: {  	_ =	sfence.sel $0x180000  }
0x156: {  	[bflag:$0x0] =	sbarrier.arrive $0xFFFF  }
0x157: {  	p0 =	sne.s32 s1, $0x0;
	_ =	strace $0x90000047  }
0x158: {  	s0 =	sadd.s32 @!p0 $0x100000, s0;
	[bflag:$0x2] =	sbarrier.arrive $0xFFFF  }
0x159: {  	[sflag:s0] =	ssyncadd.tile.s32 @!p0 $0x1;
	_ =	shalt  }
.Lfunc_end2:
_tile_overlayer_lowered:
.L_overlay_start_2:
0x15a: {  	(tag) =	ssettag $0x2  }
0x15b: {  	s0 =	rddreg [dreg:$0x0];
	s2 =	stileid.u32  }
0x15c: {  	s1 =	rddreg [dreg:$0x1];
	p0 =	sne.s32 s2, $0x0  }
0x15d: {  	s3 =	rddreg [dreg:$0x2];
	[bflag:$0x3] =	sbarrier.arrive $0xFFFF;
	s2 =	simm.s32 @!p0 $0x1C03  }
0x15e: {  	[timem:s3], [sflag:s2] =	dma.local @!p0 [hbm:s0], s1  }
0x15f: {  	s0 =	simm.s32 @!p0 $0x3  }
0x160: {  	_ =	swait.ge @!p0 [sflag:s0], s1  }
0x161: {  	s1 =	ssub.s32 @!p0 $0x0, s1;
	[sflag:s0] =	ssyncset.done @!p0 $0x0  }
0x162: {  	[sflag:s0] =	ssyncadd.s32 @!p0 s1  }
0x163: {  	[bflag:$0x3] =	sbarrier.arrive $0xFFFF  }
0x164: {  	_ =	shalt  }

</sc_bundles>
